<compile_context>
chip_gen: v7x
topology: tpu7x:2x2x1
jax: 0.10.2.dev20260603
libtpu: 0.0.44.dev20260713+nightly
codegen_flags: <defaults>
</compile_context>

<pallas_src>
import functools

import jax
import jax.numpy as jnp
from jax import lax
from jax.experimental import pallas as pl
from jax.experimental.pallas import tpu as pltpu
from jax.experimental.pallas import tpu_sc as plsc

NN = 10000
FD = 128
NC = 2
NS = 16
NW = NC * NS
CH = 128
NACC = 10240
RPT = NACC // NS
RB = 2000


def _sc_mesh():
    return plsc.VectorSubcoreMesh(core_axis_name="c", subcore_axis_name="s")


def _sc_degree(dst_pad):
    ept = dst_pad.shape[0] // NW
    nch = ept // CH

    @functools.partial(
        pl.kernel,
        out_type=jax.ShapeDtypeStruct((NC, NACC, FD), jnp.float32),
        mesh=_sc_mesh(),
        scratch_types=[
            pltpu.VMEM((CH,), jnp.int32),
            pltpu.VMEM((CH, FD), jnp.float32),
            pltpu.VMEM_SHARED((NACC, FD), jnp.float32),
        ],
    )
    def k(dst_hbm, out_hbm, idx_v, ones_v, acc_sh):
        c = lax.axis_index("c")
        s = lax.axis_index("s")
        wid = c * NS + s
        base = wid * ept

        def fill(val):
            def fi(i, carry):
                def fj(j, carry2):
                    ones_v[i, pl.ds(j * 16, 16)] = jnp.full((16,), val,
                                                            jnp.float32)
                    return carry2

                return lax.fori_loop(0, FD // 16, fj, carry)

            lax.fori_loop(0, CH, fi, 0)

        fill(0.0)

        def zero_out(j, carry):
            pltpu.sync_copy(ones_v, acc_sh.at[pl.ds(s * RPT + j * CH, CH)])
            return carry

        lax.fori_loop(0, RPT // CH, zero_out, 0)
        fill(1.0)
        plsc.subcore_barrier()

        def body(j, carry):
            pltpu.sync_copy(dst_hbm.at[pl.ds(base + j * CH, CH)], idx_v)
            pltpu.sync_copy(ones_v, acc_sh.at[idx_v], add=True)
            return carry

        lax.fori_loop(0, nch, body, 0)
        plsc.subcore_barrier()

        def copy_out(j, carry):
            pltpu.sync_copy(acc_sh.at[pl.ds(s * RPT + j * CH, CH)], ones_v)
            pltpu.sync_copy(ones_v, out_hbm.at[c, pl.ds(s * RPT + j * CH, CH)])
            return carry

        lax.fori_loop(0, RPT // CH, copy_out, 0)

    return k(dst_pad)


def _sc_aggregate(eidx, table):
    nch = eidx.shape[0] // NW

    @functools.partial(
        pl.kernel,
        out_type=jax.ShapeDtypeStruct((NC, NACC, FD), jnp.float32),
        mesh=_sc_mesh(),
        scratch_types=[
            pltpu.VMEM((2, CH), jnp.int32),
            pltpu.VMEM((CH,), jnp.int32),
            pltpu.VMEM((CH,), jnp.int32),
            pltpu.VMEM((CH, FD), jnp.float32),
            pltpu.VMEM_SHARED((NACC, FD), jnp.float32),
            pltpu.SemaphoreType.DMA,
            pltpu.SemaphoreType.DMA,
        ],
    )
    def k(eidx_hbm, tab_hbm, out_hbm, ebufA, sidxA, didxA, rowsA, acc_sh,
          semGA, semSA):
        c = lax.axis_index("c")
        s = lax.axis_index("s")
        wid = c * NS + s
        cbase = wid * nch

        def fill_zero(i, carry):
            def fz(j, carry2):
                rowsA[i, pl.ds(j * 16, 16)] = jnp.zeros((16,), jnp.float32)
                return carry2

            return lax.fori_loop(0, FD // 16, fz, carry)

        lax.fori_loop(0, CH, fill_zero, 0)

        def zero_out(j, carry):
            pltpu.sync_copy(rowsA, acc_sh.at[pl.ds(s * RPT + j * CH, CH)])
            return carry

        lax.fori_loop(0, RPT // CH, zero_out, 0)
        plsc.subcore_barrier()

        def cpboth(ebuf, sidx, didx):
            def cp(i, carry):
                sidx[pl.ds(i * 16, 16)] = ebuf[0, pl.ds(i * 16, 16)]
                didx[pl.ds(i * 16, 16)] = ebuf[1, pl.ds(i * 16, 16)]
                return carry

            lax.fori_loop(0, CH // 16, cp, 0)

        def body(j, carry):
            cid = cbase + j
            pltpu.sync_copy(eidx_hbm.at[cid], ebufA)
            cpboth(ebufA, sidxA, didxA)
            pltpu.async_copy(tab_hbm.at[sidxA], rowsA, semGA).wait()
            pltpu.async_copy(rowsA, acc_sh.at[didxA], semSA, add=True).wait()
            return carry

        lax.fori_loop(0, nch, body, 0)
        plsc.subcore_barrier()

        def copy_out(j, carry):
            pltpu.sync_copy(acc_sh.at[pl.ds(s * RPT + j * CH, CH)], rowsA)
            pltpu.sync_copy(rowsA, out_hbm.at[c, pl.ds(s * RPT + j * CH, CH)])
            return carry

        lax.fori_loop(0, RPT // CH, copy_out, 0)

    return k(eidx, table)


def _dis_block(deg_ref):
    deg = deg_ref[0, :, 0:1] + deg_ref[1, :, 0:1] + 1.0
    return lax.rsqrt(deg)


def _tc_layer1(x, w1, degp):

    def body(x_ref, w_ref, deg_ref, h_ref, hs_ref):
        dis = _dis_block(deg_ref)
        h = jnp.dot(x_ref[...], w_ref[...], preferred_element_type=jnp.float32)
        h_ref[...] = h
        hs_ref[...] = h * dis

    return pl.pallas_call(
        body,
        grid=(NN // RB,),
        in_specs=[
            pl.BlockSpec((RB, FD), lambda i: (i, 0)),
            pl.BlockSpec((FD, FD), lambda i: (0, 0)),
            pl.BlockSpec((NC, RB, 8), lambda i: (0, i, 0)),
        ],
        out_specs=[pl.BlockSpec((RB, FD), lambda i: (i, 0))] * 2,
        out_shape=[jax.ShapeDtypeStruct((NN, FD), jnp.float32)] * 2,
    )(x, w1, degp)


def _tc_layer2(aggp, h1, degp, b1, w2):

    def body(agg_ref, h1_ref, deg_ref, b_ref, w_ref, h2_ref, hs2_ref):
        dis = _dis_block(deg_ref)
        agg = agg_ref[0] + agg_ref[1]
        pre = dis * agg + (dis * dis) * h1_ref[...] + b_ref[...]
        h1r = jnp.maximum(pre, 0.0)
        h2 = jnp.dot(h1r, w_ref[...], preferred_element_type=jnp.float32)
        h2_ref[...] = h2
        hs2_ref[...] = h2 * dis

    return pl.pallas_call(
        body,
        grid=(NN // RB,),
        in_specs=[
            pl.BlockSpec((NC, RB, FD), lambda i: (0, i, 0)),
            pl.BlockSpec((RB, FD), lambda i: (i, 0)),
            pl.BlockSpec((NC, RB, 8), lambda i: (0, i, 0)),
            pl.BlockSpec((1, FD), lambda i: (0, 0)),
            pl.BlockSpec((FD, FD), lambda i: (0, 0)),
        ],
        out_specs=[pl.BlockSpec((RB, FD), lambda i: (i, 0))] * 2,
        out_shape=[jax.ShapeDtypeStruct((NN, FD), jnp.float32)] * 2,
    )(aggp, h1, degp, b1, w2)


def _tc_final(aggp, h2, degp, b2, ws, bs):
    nblk = NN // RB

    def body(agg_ref, h2_ref, deg_ref, b_ref, ws_ref, bs_ref, sum_ref,
             hf_ref, acc):
        i = pl.program_id(0)

        @pl.when(i == 0)
        def _init():
            acc[...] = jnp.zeros_like(acc)

        dis = _dis_block(deg_ref)
        agg = agg_ref[0] + agg_ref[1]
        hf = dis * agg + (dis * dis) * h2_ref[...] + b_ref[...]
        hf_ref[...] = hf
        acc[...] += jnp.sum(hf, axis=0, keepdims=True)

        @pl.when(i == nblk - 1)
        def _fin():
            g = acc[...] * jnp.float32(1.0 / NN)
            sum_ref[...] = (
                jnp.dot(g, ws_ref[...], preferred_element_type=jnp.float32)
                + bs_ref[...]
            )

    return pl.pallas_call(
        body,
        grid=(nblk,),
        in_specs=[
            pl.BlockSpec((NC, RB, FD), lambda i: (0, i, 0)),
            pl.BlockSpec((RB, FD), lambda i: (i, 0)),
            pl.BlockSpec((NC, RB, 8), lambda i: (0, i, 0)),
            pl.BlockSpec((1, FD), lambda i: (0, 0)),
            pl.BlockSpec((FD, FD), lambda i: (0, 0)),
            pl.BlockSpec((1, FD), lambda i: (0, 0)),
        ],
        out_specs=[
            pl.BlockSpec((1, FD), lambda i: (0, 0)),
            pl.BlockSpec((RB, FD), lambda i: (i, 0)),
        ],
        out_shape=[
            jax.ShapeDtypeStruct((1, FD), jnp.float32),
            jax.ShapeDtypeStruct((NN, FD), jnp.float32),
        ],
        scratch_shapes=[pltpu.VMEM((1, FD), jnp.float32)],
    )(aggp, h2, degp, b2, ws, bs)


def kernel(x, edge_index, batch, W1, b1, W2, b2, Ws, bs):
    src = edge_index[0]
    dst = edge_index[1]
    e = src.shape[0]
    ept = -(-e // (NW * CH)) * CH
    pad = NW * ept - e
    src_pad = jnp.concatenate([src, jnp.zeros((pad,), jnp.int32)])
    dst_pad = jnp.concatenate([dst, jnp.full((pad,), NN, jnp.int32)])
    eidx = jnp.stack(
        [src_pad.reshape(-1, CH), dst_pad.reshape(-1, CH)], axis=1)

    degp = _sc_degree(dst_pad)[:, :, :8]
    h1, hs = _tc_layer1(x, W1, degp)
    agg1 = _sc_aggregate(eidx, hs)
    h2, hs2 = _tc_layer2(agg1, h1, degp, b1.reshape(1, FD), W2)
    agg2 = _sc_aggregate(eidx, hs2)
    summary, hf = _tc_final(agg2, h2, degp, b2.reshape(1, FD), Ws,
                            bs.reshape(1, FD))
    return (summary, hf)

# --- scband reference (transcript-rebuilt; emitter-appended) ---
"""Pipeline reference for scband-dgi-24455543783861 (READ-ONLY COPY).

The authoritative reference and input builder live on the scoring server;
editing this copy changes nothing except your own understanding.
"""

import jax, jax.numpy as jnp
import numpy as np

N = 10000
E = 320000
D = 128
H = 128


def setup_inputs(seed: int = 0) -> dict:
    key = jax.random.key(seed)
    ks = jax.random.split(key, 8)
    x = jax.random.normal(ks[0], (N, D), dtype=jnp.float32)
    edge_index = jax.random.randint(ks[1], (2, E), 0, N, dtype=jnp.int32)
    batch = jnp.zeros((N,), dtype=jnp.int32)
    # GCNConv layer 1 params (Linear in->hidden, glorot-ish init)
    W1 = jax.random.normal(ks[2], (D, H), dtype=jnp.float32) * (1.0 / np.sqrt(D))
    b1 = jnp.zeros((H,), dtype=jnp.float32)
    # GCNConv layer 2 params
    W2 = jax.random.normal(ks[3], (H, H), dtype=jnp.float32) * (1.0 / np.sqrt(H))
    b2 = jnp.zeros((H,), dtype=jnp.float32)
    # summary Linear params
    Ws = jax.random.normal(ks[4], (H, H), dtype=jnp.float32) * (1.0 / np.sqrt(H))
    bs = jnp.zeros((H,), dtype=jnp.float32)
    return {"x": x, "edge_index": edge_index, "batch": batch,
            "W1": W1, "b1": b1, "W2": W2, "b2": b2, "Ws": Ws, "bs": bs}


def _gcn_conv(x, edge_index, W, b):
    # PyG GCNConv: add self-loops, symmetric normalization, linear transform, scatter-add aggregate
    n = x.shape[0]
    loop = jnp.arange(n, dtype=edge_index.dtype)
    src = jnp.concatenate([edge_index[0], loop])
    dst = jnp.concatenate([edge_index[1], loop])
    h = x @ W
    deg = jnp.zeros((n,), dtype=h.dtype).at[dst].add(1.0)
    deg_inv_sqrt = jnp.where(deg > 0, 1.0 / jnp.sqrt(deg), 0.0)
    norm = deg_inv_sqrt[src] * deg_inv_sqrt[dst]
    msg = h[src] * norm[:, None]
    out = jnp.zeros_like(h).at[dst].add(msg)
    return out + b


def reference(x, edge_index, batch, W1, b1, W2, b2, Ws, bs):
    # GCNEncoder
    h = _gcn_conv(x, edge_index, W1, b1)
    h = jax.nn.relu(h)
    h = _gcn_conv(h, edge_index, W2, b2)
    # global_mean_pool (single graph: batch all zeros -> num_segments=1)
    num_graphs = 1
    sums = jax.ops.segment_sum(h, batch, num_segments=num_graphs)
    counts = jax.ops.segment_sum(jnp.ones((h.shape[0], 1), dtype=h.dtype), batch, num_segments=num_graphs)
    g = sums / jnp.maximum(counts, 1.0)
    # summary linear
    summary = g @ Ws + bs
    return (summary, h)

if __name__ == "__main__":
    import jax
    _d = setup_inputs()
    print(jax.jit(kernel)(*tuple(_d.values())))

</pallas_src>

<mosaic_0001>
#map = affine_map<(d0, d1) -> (0, 0, 0)>
#map1 = affine_map<(d0, d1) -> (0, 0)>
module attributes {stable_mosaic.version = 14 : i64} {
  func.func @k(%arg0: i32, %arg1: i32, %arg2: memref<2528x2x128xi32, #tpu.memory_space<hbm>>, %arg3: memref<10000x128xf32, #tpu.memory_space<hbm>>, %arg4: memref<2x10240x128xf32, #tpu.memory_space<hbm>>, %arg5: memref<2x128xi32, #tpu.memory_space<vmem>>, %arg6: memref<128xi32, #tpu.memory_space<vmem>>, %arg7: memref<128xi32, #tpu.memory_space<vmem>>, %arg8: memref<128x128xf32, #tpu.memory_space<vmem>>, %arg9: memref<10240x128xf32, #tpu.memory_space<vmem_shared>>, %arg10: memref<!tpu.dma_semaphore, #tpu.memory_space<semaphore_mem>>, %arg11: memref<!tpu.dma_semaphore, #tpu.memory_space<semaphore_mem>>) attributes {dimension_semantics = [#tpu.dimension_semantics<core_parallel>, #tpu.dimension_semantics<subcore_parallel>], iteration_bounds = array<i64: 2, 16>, scalar_prefetch = 0 : i64, scratch_operands = 7 : i64, tpu.core_type = #tpu.core_type<sc_vector_subcore>, window_params = [{transform_indices = #map}, {transform_indices = #map1}, {transform_indices = #map}]} {
    %mul3A = arith.constant 16 : i32
    %mul3A_0 = arith.muli %arg0, %mul3A : i32
    %add3A = arith.addi %mul3A_0, %arg1 : i32
    %mul3A_1 = arith.constant 79 : i32
    %mul3A_2 = arith.muli %add3A, %mul3A_1 : i32
    %scan3A = arith.constant 0 : i32
    %scan3A_3 = arith.constant 0 : i32
    %scan3A_4 = arith.constant 128 : i32
    %scan3A_5 = arith.addi %scan3A_3, %scan3A_4 : i32
    %scan3A_6 = arith.constant 1 : i32
    scf.for %scan3A_27 = %scan3A_3 to %scan3A_5 step %scan3A_6  : i32 {
      %scan3A_28 = arith.constant 0 : i32
      %scan3A_29 = arith.constant 8 : i32
      %scan3A_30 = arith.addi %scan3A_28, %scan3A_29 : i32
      %scan3A_31 = arith.constant 1 : i32
      scf.for %scan3A_33 = %scan3A_28 to %scan3A_30 step %scan3A_31  : i32 {
        %broadcast_in_dim3A = arith.constant 0.000000e+00 : f32
        %broadcast_in_dim3A_34 = vector.broadcast %broadcast_in_dim3A : f32 to vector<16xf32>
        %mul3A_35 = arith.constant 16 : i32
        %mul3A_36 = arith.muli %scan3A_33, %mul3A_35 : i32
        %swap3A = arith.index_cast %scan3A_27 : i32 to index
        %swap3A_37 = arith.index_cast %mul3A_36 : i32 to index
        %swap3A_38 = tpu.vector_load %arg8[%swap3A, %swap3A_37] {strides = array<i32>} : memref<128x128xf32, #tpu.memory_space<vmem>>, vector<1x16xf32>,
        %swap3A_39 = vector.shape_cast %swap3A_38 : vector<1x16xf32> to vector<16xf32>
        %swap3A_40 = vector.shape_cast %broadcast_in_dim3A_34 : vector<16xf32> to vector<1x16xf32>
        tpu.vector_store %arg8[%swap3A, %swap3A_37], %swap3A_40 {strides = array<i32>} : memref<128x128xf32, #tpu.memory_space<vmem>>, vector<1x16xf32>,
      }
      %scan3A_32 = arith.constant 8 : i32
    }
    %scan3A_7 = arith.constant 128 : i32
    %scan3A_8 = arith.constant 0 : i32
    %scan3A_9 = arith.constant 0 : i32
    %scan3A_10 = arith.constant 5 : i32
    %scan3A_11 = arith.addi %scan3A_9, %scan3A_10 : i32
    %scan3A_12 = arith.constant 1 : i32
    scf.for %scan3A_27 = %scan3A_9 to %scan3A_11 step %scan3A_12  : i32 {
      %mul3A_28 = arith.constant 640 : i32
      %mul3A_29 = arith.muli %arg1, %mul3A_28 : i32
      %mul3A_30 = arith.constant 128 : i32
      %mul3A_31 = arith.muli %scan3A_27, %mul3A_30 : i32
      %add3A_32 = arith.addi %mul3A_29, %mul3A_31 : i32
      "tpu.region"() ({
        %run_scoped3A = tpu.sem_alloc : memref<!tpu.dma_semaphore, #tpu.memory_space<semaphore_mem>>
        %dma_start3A = arith.constant 0 : i32
        %dma_start3A_33 = tpu.memref_slice %arg9[%add3A_32, %dma_start3A] : memref<10240x128xf32, #tpu.memory_space<vmem_shared>> -> memref<128x128xf32, #tpu.memory_space<vmem_shared>>
        %dma_start3A_34 = arith.constant 0 : i32
        %dma_start3A_35 = tpu.memref_slice %arg9[%add3A_32, %dma_start3A_34] : memref<10240x128xf32, #tpu.memory_space<vmem_shared>> -> memref<128x128xf32, #tpu.memory_space<vmem_shared>>
        tpu.enqueue_dma source(%arg8 : memref<128x128xf32, #tpu.memory_space<vmem>>) target(%dma_start3A_35 : memref<128x128xf32, #tpu.memory_space<vmem_shared>>) target_semaphore(%run_scoped3A : memref<!tpu.dma_semaphore, #tpu.memory_space<semaphore_mem>>)
        %dma_wait3A = arith.constant 0 : i32
        %dma_wait3A_36 = tpu.memref_slice %arg9[%add3A_32, %dma_wait3A] : memref<10240x128xf32, #tpu.memory_space<vmem_shared>> -> memref<128x128xf32, #tpu.memory_space<vmem_shared>>
        %dma_wait3A_37 = arith.constant 0 : i32
        %dma_wait3A_38 = tpu.memref_slice %arg9[%add3A_32, %dma_wait3A_37] : memref<10240x128xf32, #tpu.memory_space<vmem_shared>> -> memref<128x128xf32, #tpu.memory_space<vmem_shared>>
        tpu.wait_dma2 semaphore(%run_scoped3A : memref<!tpu.dma_semaphore, #tpu.memory_space<semaphore_mem>>) src(%arg8 : memref<128x128xf32, #tpu.memory_space<vmem>>) dst(%dma_wait3A_38 : memref<128x128xf32, #tpu.memory_space<vmem_shared>>)
        tpu.yield
      }) : () -> ()
    }
    %scan3A_13 = arith.constant 5 : i32
    %barrier3A = arith.constant 0 : index
    tpu.barrier barrier_id(%barrier3A)
    %scan3A_14 = arith.constant 0 : i32
    %scan3A_15 = arith.constant 0 : i32
    %scan3A_16 = arith.constant 79 : i32
    %scan3A_17 = arith.addi %scan3A_15, %scan3A_16 : i32
    %scan3A_18 = arith.constant 1 : i32
    scf.for %scan3A_27 = %scan3A_15 to %scan3A_17 step %scan3A_18  : i32 {
      %add3A_28 = arith.addi %mul3A_2, %scan3A_27 : i32
      "tpu.region"() ({
        %run_scoped3A = tpu.sem_alloc : memref<!tpu.dma_semaphore, #tpu.memory_space<semaphore_mem>>
        %dma_start3A_45 = arith.constant 0 : i32
        %dma_start3A_46 = arith.constant 0 : i32
        %dma_start3A_47 = tpu.memref_slice %arg2[%add3A_28, %dma_start3A_45, %dma_start3A_46] : memref<2528x2x128xi32, #tpu.memory_space<hbm>> -> memref<1x2x128xi32, #tpu.memory_space<hbm>>
        %dma_start3A_48 = tpu.memref_squeeze %dma_start3A_47 : memref<1x2x128xi32, #tpu.memory_space<hbm>> -> memref<2x128xi32, #tpu.memory_space<hbm>>
        %dma_start3A_49 = arith.constant 0 : i32
        %dma_start3A_50 = arith.constant 0 : i32
        %dma_start3A_51 = tpu.memref_slice %arg2[%add3A_28, %dma_start3A_49, %dma_start3A_50] : memref<2528x2x128xi32, #tpu.memory_space<hbm>> -> memref<1x2x128xi32, #tpu.memory_space<hbm>>
        %dma_start3A_52 = tpu.memref_squeeze %dma_start3A_51 : memref<1x2x128xi32, #tpu.memory_space<hbm>> -> memref<2x128xi32, #tpu.memory_space<hbm>>
        tpu.enqueue_dma source(%dma_start3A_52 : memref<2x128xi32, #tpu.memory_space<hbm>>) target(%arg5 : memref<2x128xi32, #tpu.memory_space<vmem>>) target_semaphore(%run_scoped3A : memref<!tpu.dma_semaphore, #tpu.memory_space<semaphore_mem>>)
        %dma_wait3A_53 = arith.constant 0 : i32
        %dma_wait3A_54 = arith.constant 0 : i32
        %dma_wait3A_55 = tpu.memref_slice %arg2[%add3A_28, %dma_wait3A_53, %dma_wait3A_54] : memref<2528x2x128xi32, #tpu.memory_space<hbm>> -> memref<1x2x128xi32, #tpu.memory_space<hbm>>
        %dma_wait3A_56 = tpu.memref_squeeze %dma_wait3A_55 : memref<1x2x128xi32, #tpu.memory_space<hbm>> -> memref<2x128xi32, #tpu.memory_space<hbm>>
        %dma_wait3A_57 = arith.constant 0 : i32
        %dma_wait3A_58 = arith.constant 0 : i32
        %dma_wait3A_59 = tpu.memref_slice %arg2[%add3A_28, %dma_wait3A_57, %dma_wait3A_58] : memref<2528x2x128xi32, #tpu.memory_space<hbm>> -> memref<1x2x128xi32, #tpu.memory_space<hbm>>
        %dma_wait3A_60 = tpu.memref_squeeze %dma_wait3A_59 : memref<1x2x128xi32, #tpu.memory_space<hbm>> -> memref<2x128xi32, #tpu.memory_space<hbm>>
        tpu.wait_dma2 semaphore(%run_scoped3A : memref<!tpu.dma_semaphore, #tpu.memory_space<semaphore_mem>>) src(%dma_wait3A_60 : memref<2x128xi32, #tpu.memory_space<hbm>>) dst(%arg5 : memref<2x128xi32, #tpu.memory_space<vmem>>)
        tpu.yield
      }) : () -> ()
      %scan3A_29 = arith.constant 0 : i32
      %scan3A_30 = arith.constant 0 : i32
      %scan3A_31 = arith.constant 8 : i32
      %scan3A_32 = arith.addi %scan3A_30, %scan3A_31 : i32
      %scan3A_33 = arith.constant 1 : i32
      scf.for %scan3A_45 = %scan3A_30 to %scan3A_32 step %scan3A_33  : i32 {
        %mul3A_46 = arith.constant 16 : i32
        %mul3A_47 = arith.muli %scan3A_45, %mul3A_46 : i32
        %get3A = arith.constant 0 : i32
        %get3A_48 = arith.index_cast %get3A : i32 to index
        %get3A_49 = arith.index_cast %mul3A_47 : i32 to index
        %get3A_50 = tpu.vector_load %arg5[%get3A_48, %get3A_49] {strides = array<i32>} : memref<2x128xi32, #tpu.memory_space<vmem>>, vector<1x16xi32>,
        %get3A_51 = vector.shape_cast %get3A_50 : vector<1x16xi32> to vector<16xi32>
        %mul3A_52 = arith.constant 16 : i32
        %mul3A_53 = arith.muli %scan3A_45, %mul3A_52 : i32
        %swap3A = arith.index_cast %mul3A_53 : i32 to index
        %swap3A_54 = tpu.vector_load %arg6[%swap3A] {strides = array<i32>} : memref<128xi32, #tpu.memory_space<vmem>>, vector<16xi32>,
        %swap3A_55 = vector.shape_cast %swap3A_54 : vector<16xi32> to vector<16xi32>
        %swap3A_56 = vector.shape_cast %get3A_51 : vector<16xi32> to vector<16xi32>
        tpu.vector_store %arg6[%swap3A], %swap3A_56 {strides = array<i32>} : memref<128xi32, #tpu.memory_space<vmem>>, vector<16xi32>,
        %mul3A_57 = arith.constant 16 : i32
        %mul3A_58 = arith.muli %scan3A_45, %mul3A_57 : i32
        %get3A_59 = arith.constant 1 : i32
        %get3A_60 = arith.index_cast %get3A_59 : i32 to index
        %get3A_61 = arith.index_cast %mul3A_58 : i32 to index
        %get3A_62 = tpu.vector_load %arg5[%get3A_60, %get3A_61] {strides = array<i32>} : memref<2x128xi32, #tpu.memory_space<vmem>>, vector<1x16xi32>,
        %get3A_63 = vector.shape_cast %get3A_62 : vector<1x16xi32> to vector<16xi32>
        %mul3A_64 = arith.constant 16 : i32
        %mul3A_65 = arith.muli %scan3A_45, %mul3A_64 : i32
        %swap3A_66 = arith.index_cast %mul3A_65 : i32 to index
        %swap3A_67 = tpu.vector_load %arg7[%swap3A_66] {strides = array<i32>} : memref<128xi32, #tpu.memory_space<vmem>>, vector<16xi32>,
        %swap3A_68 = vector.shape_cast %swap3A_67 : vector<16xi32> to vector<16xi32>
        %swap3A_69 = vector.shape_cast %get3A_63 : vector<16xi32> to vector<16xi32>
        tpu.vector_store %arg7[%swap3A_66], %swap3A_69 {strides = array<i32>} : memref<128xi32, #tpu.memory_space<vmem>>, vector<16xi32>,
      }
      %scan3A_34 = arith.constant 8 : i32
      %dma_start3A = arith.constant 0 : i32
      %dma_start3A_35 = arith.constant 0 : i32
      %dma_start3A_36 = tpu.memref_slice %arg3[%dma_start3A, %dma_start3A_35] : memref<10000x128xf32, #tpu.memory_space<hbm>> -> memref<10000x128xf32, #tpu.memory_space<hbm>>
      tpu.enqueue_indirect_dma source(%dma_start3A_36 : memref<10000x128xf32, #tpu.memory_space<hbm>>) target(%arg8 : memref<128x128xf32, #tpu.memory_space<vmem>>) offsets(%arg6 : memref<128xi32, #tpu.memory_space<vmem>>) semaphore(%arg10 : memref<!tpu.dma_semaphore, #tpu.memory_space<semaphore_mem>>)
      %dma_wait3A = arith.constant 0 : i32
      %dma_wait3A_37 = arith.constant 0 : i32
      %dma_wait3A_38 = tpu.memref_slice %arg3[%dma_wait3A, %dma_wait3A_37] : memref<10000x128xf32, #tpu.memory_space<hbm>> -> memref<10000x128xf32, #tpu.memory_space<hbm>>
      tpu.wait_indirect_dma semaphore(%arg10 : memref<!tpu.dma_semaphore, #tpu.memory_space<semaphore_mem>>) src(%dma_wait3A_38 : memref<10000x128xf32, #tpu.memory_space<hbm>>) dst(%arg8 : memref<128x128xf32, #tpu.memory_space<vmem>>)
      %dma_start3A_39 = arith.constant 0 : i32
      %dma_start3A_40 = arith.constant 0 : i32
      %dma_start3A_41 = tpu.memref_slice %arg9[%dma_start3A_39, %dma_start3A_40] : memref<10240x128xf32, #tpu.memory_space<vmem_shared>> -> memref<10240x128xf32, #tpu.memory_space<vmem_shared>>
      tpu.enqueue_indirect_dma source(%arg8 : memref<128x128xf32, #tpu.memory_space<vmem>>) target(%dma_start3A_41 : memref<10240x128xf32, #tpu.memory_space<vmem_shared>>) offsets(%arg7 : memref<128xi32, #tpu.memory_space<vmem>>) semaphore(%arg11 : memref<!tpu.dma_semaphore, #tpu.memory_space<semaphore_mem>>) {add = true}
      %dma_wait3A_42 = arith.constant 0 : i32
      %dma_wait3A_43 = arith.constant 0 : i32
      %dma_wait3A_44 = tpu.memref_slice %arg9[%dma_wait3A_42, %dma_wait3A_43] : memref<10240x128xf32, #tpu.memory_space<vmem_shared>> -> memref<10240x128xf32, #tpu.memory_space<vmem_shared>>
      tpu.wait_indirect_dma semaphore(%arg11 : memref<!tpu.dma_semaphore, #tpu.memory_space<semaphore_mem>>) src(%arg8 : memref<128x128xf32, #tpu.memory_space<vmem>>) dst(%dma_wait3A_44 : memref<10240x128xf32, #tpu.memory_space<vmem_shared>>)
    }
    %scan3A_19 = arith.constant 79 : i32
    %barrier3A_20 = arith.constant 0 : index
    tpu.barrier barrier_id(%barrier3A_20)
    %scan3A_21 = arith.constant 0 : i32
    %scan3A_22 = arith.constant 0 : i32
    %scan3A_23 = arith.constant 5 : i32
    %scan3A_24 = arith.addi %scan3A_22, %scan3A_23 : i32
    %scan3A_25 = arith.constant 1 : i32
    scf.for %scan3A_27 = %scan3A_22 to %scan3A_24 step %scan3A_25  : i32 {
      %mul3A_28 = arith.constant 640 : i32
      %mul3A_29 = arith.muli %arg1, %mul3A_28 : i32
      %mul3A_30 = arith.constant 128 : i32
      %mul3A_31 = arith.muli %scan3A_27, %mul3A_30 : i32
      %add3A_32 = arith.addi %mul3A_29, %mul3A_31 : i32
      "tpu.region"() ({
        %run_scoped3A = tpu.sem_alloc : memref<!tpu.dma_semaphore, #tpu.memory_space<semaphore_mem>>
        %dma_start3A = arith.constant 0 : i32
        %dma_start3A_38 = tpu.memref_slice %arg9[%add3A_32, %dma_start3A] : memref<10240x128xf32, #tpu.memory_space<vmem_shared>> -> memref<128x128xf32, #tpu.memory_space<vmem_shared>>
        %dma_start3A_39 = arith.constant 0 : i32
        %dma_start3A_40 = tpu.memref_slice %arg9[%add3A_32, %dma_start3A_39] : memref<10240x128xf32, #tpu.memory_space<vmem_shared>> -> memref<128x128xf32, #tpu.memory_space<vmem_shared>>
        tpu.enqueue_dma source(%dma_start3A_40 : memref<128x128xf32, #tpu.memory_space<vmem_shared>>) target(%arg8 : memref<128x128xf32, #tpu.memory_space<vmem>>) target_semaphore(%run_scoped3A : memref<!tpu.dma_semaphore, #tpu.memory_space<semaphore_mem>>)
        %dma_wait3A = arith.constant 0 : i32
        %dma_wait3A_41 = tpu.memref_slice %arg9[%add3A_32, %dma_wait3A] : memref<10240x128xf32, #tpu.memory_space<vmem_shared>> -> memref<128x128xf32, #tpu.memory_space<vmem_shared>>
        %dma_wait3A_42 = arith.constant 0 : i32
        %dma_wait3A_43 = tpu.memref_slice %arg9[%add3A_32, %dma_wait3A_42] : memref<10240x128xf32, #tpu.memory_space<vmem_shared>> -> memref<128x128xf32, #tpu.memory_space<vmem_shared>>
        tpu.wait_dma2 semaphore(%run_scoped3A : memref<!tpu.dma_semaphore, #tpu.memory_space<semaphore_mem>>) src(%dma_wait3A_43 : memref<128x128xf32, #tpu.memory_space<vmem_shared>>) dst(%arg8 : memref<128x128xf32, #tpu.memory_space<vmem>>)
        tpu.yield
      }) : () -> ()
      %mul3A_33 = arith.constant 640 : i32
      %mul3A_34 = arith.muli %arg1, %mul3A_33 : i32
      %mul3A_35 = arith.constant 128 : i32
      %mul3A_36 = arith.muli %scan3A_27, %mul3A_35 : i32
      %add3A_37 = arith.addi %mul3A_34, %mul3A_36 : i32
      "tpu.region"() ({
        %run_scoped3A = tpu.sem_alloc : memref<!tpu.dma_semaphore, #tpu.memory_space<semaphore_mem>>
        %dma_start3A = arith.constant 0 : i32
        %dma_start3A_38 = tpu.memref_slice %arg4[%arg0, %add3A_37, %dma_start3A] : memref<2x10240x128xf32, #tpu.memory_space<hbm>> -> memref<1x128x128xf32, #tpu.memory_space<hbm>>
        %dma_start3A_39 = tpu.memref_squeeze %dma_start3A_38 : memref<1x128x128xf32, #tpu.memory_space<hbm>> -> memref<128x128xf32, #tpu.memory_space<hbm>>
        %dma_start3A_40 = arith.constant 0 : i32
        %dma_start3A_41 = tpu.memref_slice %arg4[%arg0, %add3A_37, %dma_start3A_40] : memref<2x10240x128xf32, #tpu.memory_space<hbm>> -> memref<1x128x128xf32, #tpu.memory_space<hbm>>
        %dma_start3A_42 = tpu.memref_squeeze %dma_start3A_41 : memref<1x128x128xf32, #tpu.memory_space<hbm>> -> memref<128x128xf32, #tpu.memory_space<hbm>>
        tpu.enqueue_dma source(%arg8 : memref<128x128xf32, #tpu.memory_space<vmem>>) target(%dma_start3A_42 : memref<128x128xf32, #tpu.memory_space<hbm>>) target_semaphore(%run_scoped3A : memref<!tpu.dma_semaphore, #tpu.memory_space<semaphore_mem>>)
        %dma_wait3A = arith.constant 0 : i32
        %dma_wait3A_43 = tpu.memref_slice %arg4[%arg0, %add3A_37, %dma_wait3A] : memref<2x10240x128xf32, #tpu.memory_space<hbm>> -> memref<1x128x128xf32, #tpu.memory_space<hbm>>
        %dma_wait3A_44 = tpu.memref_squeeze %dma_wait3A_43 : memref<1x128x128xf32, #tpu.memory_space<hbm>> -> memref<128x128xf32, #tpu.memory_space<hbm>>
        %dma_wait3A_45 = arith.constant 0 : i32
        %dma_wait3A_46 = tpu.memref_slice %arg4[%arg0, %add3A_37, %dma_wait3A_45] : memref<2x10240x128xf32, #tpu.memory_space<hbm>> -> memref<1x128x128xf32, #tpu.memory_space<hbm>>
        %dma_wait3A_47 = tpu.memref_squeeze %dma_wait3A_46 : memref<1x128x128xf32, #tpu.memory_space<hbm>> -> memref<128x128xf32, #tpu.memory_space<hbm>>
        tpu.wait_dma2 semaphore(%run_scoped3A : memref<!tpu.dma_semaphore, #tpu.memory_space<semaphore_mem>>) src(%arg8 : memref<128x128xf32, #tpu.memory_space<vmem>>) dst(%dma_wait3A_47 : memref<128x128xf32, #tpu.memory_space<hbm>>)
        tpu.yield
      }) : () -> ()
    }
    %scan3A_26 = arith.constant 5 : i32
    return
  }
}

#map = affine_map<(d0, d1) -> (0)>
#map1 = affine_map<(d0, d1) -> (0, 0, 0)>
module attributes {stable_mosaic.version = 14 : i64} {
  func.func @k(%arg0: i32, %arg1: i32, %arg2: memref<323584xi32, #tpu.memory_space<hbm>>, %arg3: memref<2x10240x128xf32, #tpu.memory_space<hbm>>, %arg4: memref<128xi32, #tpu.memory_space<vmem>>, %arg5: memref<128x128xf32, #tpu.memory_space<vmem>>, %arg6: memref<10240x128xf32, #tpu.memory_space<vmem_shared>>) attributes {dimension_semantics = [#tpu.dimension_semantics<core_parallel>, #tpu.dimension_semantics<subcore_parallel>], iteration_bounds = array<i64: 2, 16>, scalar_prefetch = 0 : i64, scratch_operands = 3 : i64, tpu.core_type = #tpu.core_type<sc_vector_subcore>, window_params = [{transform_indices = #map}, {transform_indices = #map1}]} {
    %mul3A = arith.constant 16 : i32
    %mul3A_0 = arith.muli %arg0, %mul3A : i32
    %add3A = arith.addi %mul3A_0, %arg1 : i32
    %mul3A_1 = arith.constant 10112 : i32
    %mul3A_2 = arith.muli %add3A, %mul3A_1 : i32
    %scan3A = arith.constant 0 : i32
    %scan3A_3 = arith.constant 0 : i32
    %scan3A_4 = arith.constant 128 : i32
    %scan3A_5 = arith.addi %scan3A_3, %scan3A_4 : i32
    %scan3A_6 = arith.constant 1 : i32
    scf.for %scan3A_33 = %scan3A_3 to %scan3A_5 step %scan3A_6  : i32 {
      %scan3A_34 = arith.constant 0 : i32
      %scan3A_35 = arith.constant 8 : i32
      %scan3A_36 = arith.addi %scan3A_34, %scan3A_35 : i32
      %scan3A_37 = arith.constant 1 : i32
      scf.for %scan3A_39 = %scan3A_34 to %scan3A_36 step %scan3A_37  : i32 {
        %broadcast_in_dim3A = arith.constant 0.000000e+00 : f32
        %broadcast_in_dim3A_40 = vector.broadcast %broadcast_in_dim3A : f32 to vector<16xf32>
        %mul3A_41 = arith.constant 16 : i32
        %mul3A_42 = arith.muli %scan3A_39, %mul3A_41 : i32
        %swap3A = arith.index_cast %scan3A_33 : i32 to index
        %swap3A_43 = arith.index_cast %mul3A_42 : i32 to index
        %swap3A_44 = tpu.vector_load %arg5[%swap3A, %swap3A_43] {strides = array<i32>} : memref<128x128xf32, #tpu.memory_space<vmem>>, vector<1x16xf32>,
        %swap3A_45 = vector.shape_cast %swap3A_44 : vector<1x16xf32> to vector<16xf32>
        %swap3A_46 = vector.shape_cast %broadcast_in_dim3A_40 : vector<16xf32> to vector<1x16xf32>
        tpu.vector_store %arg5[%swap3A, %swap3A_43], %swap3A_46 {strides = array<i32>} : memref<128x128xf32, #tpu.memory_space<vmem>>, vector<1x16xf32>,
      }
      %scan3A_38 = arith.constant 8 : i32
    }
    %scan3A_7 = arith.constant 128 : i32
    %scan3A_8 = arith.constant 0 : i32
    %scan3A_9 = arith.constant 0 : i32
    %scan3A_10 = arith.constant 5 : i32
    %scan3A_11 = arith.addi %scan3A_9, %scan3A_10 : i32
    %scan3A_12 = arith.constant 1 : i32
    scf.for %scan3A_33 = %scan3A_9 to %scan3A_11 step %scan3A_12  : i32 {
      %mul3A_34 = arith.constant 640 : i32
      %mul3A_35 = arith.muli %arg1, %mul3A_34 : i32
      %mul3A_36 = arith.constant 128 : i32
      %mul3A_37 = arith.muli %scan3A_33, %mul3A_36 : i32
      %add3A_38 = arith.addi %mul3A_35, %mul3A_37 : i32
      "tpu.region"() ({
        %run_scoped3A = tpu.sem_alloc : memref<!tpu.dma_semaphore, #tpu.memory_space<semaphore_mem>>
        %dma_start3A = arith.constant 0 : i32
        %dma_start3A_39 = tpu.memref_slice %arg6[%add3A_38, %dma_start3A] : memref<10240x128xf32, #tpu.memory_space<vmem_shared>> -> memref<128x128xf32, #tpu.memory_space<vmem_shared>>
        %dma_start3A_40 = arith.constant 0 : i32
        %dma_start3A_41 = tpu.memref_slice %arg6[%add3A_38, %dma_start3A_40] : memref<10240x128xf32, #tpu.memory_space<vmem_shared>> -> memref<128x128xf32, #tpu.memory_space<vmem_shared>>
        tpu.enqueue_dma source(%arg5 : memref<128x128xf32, #tpu.memory_space<vmem>>) target(%dma_start3A_41 : memref<128x128xf32, #tpu.memory_space<vmem_shared>>) target_semaphore(%run_scoped3A : memref<!tpu.dma_semaphore, #tpu.memory_space<semaphore_mem>>)
        %dma_wait3A = arith.constant 0 : i32
        %dma_wait3A_42 = tpu.memref_slice %arg6[%add3A_38, %dma_wait3A] : memref<10240x128xf32, #tpu.memory_space<vmem_shared>> -> memref<128x128xf32, #tpu.memory_space<vmem_shared>>
        %dma_wait3A_43 = arith.constant 0 : i32
        %dma_wait3A_44 = tpu.memref_slice %arg6[%add3A_38, %dma_wait3A_43] : memref<10240x128xf32, #tpu.memory_space<vmem_shared>> -> memref<128x128xf32, #tpu.memory_space<vmem_shared>>
        tpu.wait_dma2 semaphore(%run_scoped3A : memref<!tpu.dma_semaphore, #tpu.memory_space<semaphore_mem>>) src(%arg5 : memref<128x128xf32, #tpu.memory_space<vmem>>) dst(%dma_wait3A_44 : memref<128x128xf32, #tpu.memory_space<vmem_shared>>)
        tpu.yield
      }) : () -> ()
    }
    %scan3A_13 = arith.constant 5 : i32
    %scan3A_14 = arith.constant 0 : i32
    %scan3A_15 = arith.constant 0 : i32
    %scan3A_16 = arith.constant 128 : i32
    %scan3A_17 = arith.addi %scan3A_15, %scan3A_16 : i32
    %scan3A_18 = arith.constant 1 : i32
    scf.for %scan3A_33 = %scan3A_15 to %scan3A_17 step %scan3A_18  : i32 {
      %scan3A_34 = arith.constant 0 : i32
      %scan3A_35 = arith.constant 8 : i32
      %scan3A_36 = arith.addi %scan3A_34, %scan3A_35 : i32
      %scan3A_37 = arith.constant 1 : i32
      scf.for %scan3A_39 = %scan3A_34 to %scan3A_36 step %scan3A_37  : i32 {
        %broadcast_in_dim3A = arith.constant 1.000000e+00 : f32
        %broadcast_in_dim3A_40 = vector.broadcast %broadcast_in_dim3A : f32 to vector<16xf32>
        %mul3A_41 = arith.constant 16 : i32
        %mul3A_42 = arith.muli %scan3A_39, %mul3A_41 : i32
        %swap3A = arith.index_cast %scan3A_33 : i32 to index
        %swap3A_43 = arith.index_cast %mul3A_42 : i32 to index
        %swap3A_44 = tpu.vector_load %arg5[%swap3A, %swap3A_43] {strides = array<i32>} : memref<128x128xf32, #tpu.memory_space<vmem>>, vector<1x16xf32>,
        %swap3A_45 = vector.shape_cast %swap3A_44 : vector<1x16xf32> to vector<16xf32>
        %swap3A_46 = vector.shape_cast %broadcast_in_dim3A_40 : vector<16xf32> to vector<1x16xf32>
        tpu.vector_store %arg5[%swap3A, %swap3A_43], %swap3A_46 {strides = array<i32>} : memref<128x128xf32, #tpu.memory_space<vmem>>, vector<1x16xf32>,
      }
      %scan3A_38 = arith.constant 8 : i32
    }
    %scan3A_19 = arith.constant 128 : i32
    %barrier3A = arith.constant 0 : index
    tpu.barrier barrier_id(%barrier3A)
    %scan3A_20 = arith.constant 0 : i32
    %scan3A_21 = arith.constant 0 : i32
    %scan3A_22 = arith.constant 79 : i32
    %scan3A_23 = arith.addi %scan3A_21, %scan3A_22 : i32
    %scan3A_24 = arith.constant 1 : i32
    scf.for %scan3A_33 = %scan3A_21 to %scan3A_23 step %scan3A_24  : i32 {
      %mul3A_34 = arith.constant 128 : i32
      %mul3A_35 = arith.muli %scan3A_33, %mul3A_34 : i32
      %add3A_36 = arith.addi %mul3A_2, %mul3A_35 : i32
      "tpu.region"() ({
        %run_scoped3A = tpu.sem_alloc : memref<!tpu.dma_semaphore, #tpu.memory_space<semaphore_mem>>
        %dma_start3A = tpu.memref_slice %arg2[%add3A_36] : memref<323584xi32, #tpu.memory_space<hbm>> -> memref<128xi32, #tpu.memory_space<hbm>>
        %dma_start3A_37 = tpu.memref_slice %arg2[%add3A_36] : memref<323584xi32, #tpu.memory_space<hbm>> -> memref<128xi32, #tpu.memory_space<hbm>>
        tpu.enqueue_dma source(%dma_start3A_37 : memref<128xi32, #tpu.memory_space<hbm>>) target(%arg4 : memref<128xi32, #tpu.memory_space<vmem>>) target_semaphore(%run_scoped3A : memref<!tpu.dma_semaphore, #tpu.memory_space<semaphore_mem>>)
        %dma_wait3A = tpu.memref_slice %arg2[%add3A_36] : memref<323584xi32, #tpu.memory_space<hbm>> -> memref<128xi32, #tpu.memory_space<hbm>>
        %dma_wait3A_38 = tpu.memref_slice %arg2[%add3A_36] : memref<323584xi32, #tpu.memory_space<hbm>> -> memref<128xi32, #tpu.memory_space<hbm>>
        tpu.wait_dma2 semaphore(%run_scoped3A : memref<!tpu.dma_semaphore, #tpu.memory_space<semaphore_mem>>) src(%dma_wait3A_38 : memref<128xi32, #tpu.memory_space<hbm>>) dst(%arg4 : memref<128xi32, #tpu.memory_space<vmem>>)
        tpu.yield
      }) : () -> ()
      "tpu.region"() ({
        %run_scoped3A = tpu.sem_alloc : memref<!tpu.dma_semaphore, #tpu.memory_space<semaphore_mem>>
        %dma_start3A = arith.constant 0 : i32
        %dma_start3A_37 = arith.constant 0 : i32
        %dma_start3A_38 = tpu.memref_slice %arg6[%dma_start3A, %dma_start3A_37] : memref<10240x128xf32, #tpu.memory_space<vmem_shared>> -> memref<10240x128xf32, #tpu.memory_space<vmem_shared>>
        tpu.enqueue_indirect_dma source(%arg5 : memref<128x128xf32, #tpu.memory_space<vmem>>) target(%dma_start3A_38 : memref<10240x128xf32, #tpu.memory_space<vmem_shared>>) offsets(%arg4 : memref<128xi32, #tpu.memory_space<vmem>>) semaphore(%run_scoped3A : memref<!tpu.dma_semaphore, #tpu.memory_space<semaphore_mem>>) {add = true}
        %dma_wait3A = arith.constant 0 : i32
        %dma_wait3A_39 = arith.constant 0 : i32
        %dma_wait3A_40 = tpu.memref_slice %arg6[%dma_wait3A, %dma_wait3A_39] : memref<10240x128xf32, #tpu.memory_space<vmem_shared>> -> memref<10240x128xf32, #tpu.memory_space<vmem_shared>>
        tpu.wait_indirect_dma semaphore(%run_scoped3A : memref<!tpu.dma_semaphore, #tpu.memory_space<semaphore_mem>>) src(%arg5 : memref<128x128xf32, #tpu.memory_space<vmem>>) dst(%dma_wait3A_40 : memref<10240x128xf32, #tpu.memory_space<vmem_shared>>)
        tpu.yield
      }) : () -> ()
    }
    %scan3A_25 = arith.constant 79 : i32
    %barrier3A_26 = arith.constant 0 : index
    tpu.barrier barrier_id(%barrier3A_26)
    %scan3A_27 = arith.constant 0 : i32
    %scan3A_28 = arith.constant 0 : i32
    %scan3A_29 = arith.constant 5 : i32
    %scan3A_30 = arith.addi %scan3A_28, %scan3A_29 : i32
    %scan3A_31 = arith.constant 1 : i32
    scf.for %scan3A_33 = %scan3A_28 to %scan3A_30 step %scan3A_31  : i32 {
      %mul3A_34 = arith.constant 640 : i32
      %mul3A_35 = arith.muli %arg1, %mul3A_34 : i32
      %mul3A_36 = arith.constant 128 : i32
      %mul3A_37 = arith.muli %scan3A_33, %mul3A_36 : i32
      %add3A_38 = arith.addi %mul3A_35, %mul3A_37 : i32
      "tpu.region"() ({
        %run_scoped3A = tpu.sem_alloc : memref<!tpu.dma_semaphore, #tpu.memory_space<semaphore_mem>>
        %dma_start3A = arith.constant 0 : i32
        %dma_start3A_44 = tpu.memref_slice %arg6[%add3A_38, %dma_start3A] : memref<10240x128xf32, #tpu.memory_space<vmem_shared>> -> memref<128x128xf32, #tpu.memory_space<vmem_shared>>
        %dma_start3A_45 = arith.constant 0 : i32
        %dma_start3A_46 = tpu.memref_slice %arg6[%add3A_38, %dma_start3A_45] : memref<10240x128xf32, #tpu.memory_space<vmem_shared>> -> memref<128x128xf32, #tpu.memory_space<vmem_shared>>
        tpu.enqueue_dma source(%dma_start3A_46 : memref<128x128xf32, #tpu.memory_space<vmem_shared>>) target(%arg5 : memref<128x128xf32, #tpu.memory_space<vmem>>) target_semaphore(%run_scoped3A : memref<!tpu.dma_semaphore, #tpu.memory_space<semaphore_mem>>)
        %dma_wait3A = arith.constant 0 : i32
        %dma_wait3A_47 = tpu.memref_slice %arg6[%add3A_38, %dma_wait3A] : memref<10240x128xf32, #tpu.memory_space<vmem_shared>> -> memref<128x128xf32, #tpu.memory_space<vmem_shared>>
        %dma_wait3A_48 = arith.constant 0 : i32
        %dma_wait3A_49 = tpu.memref_slice %arg6[%add3A_38, %dma_wait3A_48] : memref<10240x128xf32, #tpu.memory_space<vmem_shared>> -> memref<128x128xf32, #tpu.memory_space<vmem_shared>>
        tpu.wait_dma2 semaphore(%run_scoped3A : memref<!tpu.dma_semaphore, #tpu.memory_space<semaphore_mem>>) src(%dma_wait3A_49 : memref<128x128xf32, #tpu.memory_space<vmem_shared>>) dst(%arg5 : memref<128x128xf32, #tpu.memory_space<vmem>>)
        tpu.yield
      }) : () -> ()
      %mul3A_39 = arith.constant 640 : i32
      %mul3A_40 = arith.muli %arg1, %mul3A_39 : i32
      %mul3A_41 = arith.constant 128 : i32
      %mul3A_42 = arith.muli %scan3A_33, %mul3A_41 : i32
      %add3A_43 = arith.addi %mul3A_40, %mul3A_42 : i32
      "tpu.region"() ({
        %run_scoped3A = tpu.sem_alloc : memref<!tpu.dma_semaphore, #tpu.memory_space<semaphore_mem>>
        %dma_start3A = arith.constant 0 : i32
        %dma_start3A_44 = tpu.memref_slice %arg3[%arg0, %add3A_43, %dma_start3A] : memref<2x10240x128xf32, #tpu.memory_space<hbm>> -> memref<1x128x128xf32, #tpu.memory_space<hbm>>
        %dma_start3A_45 = tpu.memref_squeeze %dma_start3A_44 : memref<1x128x128xf32, #tpu.memory_space<hbm>> -> memref<128x128xf32, #tpu.memory_space<hbm>>
        %dma_start3A_46 = arith.constant 0 : i32
        %dma_start3A_47 = tpu.memref_slice %arg3[%arg0, %add3A_43, %dma_start3A_46] : memref<2x10240x128xf32, #tpu.memory_space<hbm>> -> memref<1x128x128xf32, #tpu.memory_space<hbm>>
        %dma_start3A_48 = tpu.memref_squeeze %dma_start3A_47 : memref<1x128x128xf32, #tpu.memory_space<hbm>> -> memref<128x128xf32, #tpu.memory_space<hbm>>
        tpu.enqueue_dma source(%arg5 : memref<128x128xf32, #tpu.memory_space<vmem>>) target(%dma_start3A_48 : memref<128x128xf32, #tpu.memory_space<hbm>>) target_semaphore(%run_scoped3A : memref<!tpu.dma_semaphore, #tpu.memory_space<semaphore_mem>>)
        %dma_wait3A = arith.constant 0 : i32
        %dma_wait3A_49 = tpu.memref_slice %arg3[%arg0, %add3A_43, %dma_wait3A] : memref<2x10240x128xf32, #tpu.memory_space<hbm>> -> memref<1x128x128xf32, #tpu.memory_space<hbm>>
        %dma_wait3A_50 = tpu.memref_squeeze %dma_wait3A_49 : memref<1x128x128xf32, #tpu.memory_space<hbm>> -> memref<128x128xf32, #tpu.memory_space<hbm>>
        %dma_wait3A_51 = arith.constant 0 : i32
        %dma_wait3A_52 = tpu.memref_slice %arg3[%arg0, %add3A_43, %dma_wait3A_51] : memref<2x10240x128xf32, #tpu.memory_space<hbm>> -> memref<1x128x128xf32, #tpu.memory_space<hbm>>
        %dma_wait3A_53 = tpu.memref_squeeze %dma_wait3A_52 : memref<1x128x128xf32, #tpu.memory_space<hbm>> -> memref<128x128xf32, #tpu.memory_space<hbm>>
        tpu.wait_dma2 semaphore(%run_scoped3A : memref<!tpu.dma_semaphore, #tpu.memory_space<semaphore_mem>>) src(%arg5 : memref<128x128xf32, #tpu.memory_space<vmem>>) dst(%dma_wait3A_53 : memref<128x128xf32, #tpu.memory_space<hbm>>)
        tpu.yield
      }) : () -> ()
    }
    %scan3A_32 = arith.constant 5 : i32
    return
  }
}

#map = affine_map<(d0, d1) -> (0, 0, 0)>
#map1 = affine_map<(d0, d1) -> (0, 0)>
module attributes {stable_mosaic.version = 14 : i64} {
  func.func @k(%arg0: i32, %arg1: i32, %arg2: memref<2528x2x128xi32, #tpu.memory_space<hbm>>, %arg3: memref<10000x128xf32, #tpu.memory_space<hbm>>, %arg4: memref<2x10240x128xf32, #tpu.memory_space<hbm>>, %arg5: memref<2x128xi32, #tpu.memory_space<vmem>>, %arg6: memref<128xi32, #tpu.memory_space<vmem>>, %arg7: memref<128xi32, #tpu.memory_space<vmem>>, %arg8: memref<128x128xf32, #tpu.memory_space<vmem>>, %arg9: memref<10240x128xf32, #tpu.memory_space<vmem_shared>>, %arg10: memref<!tpu.dma_semaphore, #tpu.memory_space<semaphore_mem>>, %arg11: memref<!tpu.dma_semaphore, #tpu.memory_space<semaphore_mem>>) attributes {dimension_semantics = [#tpu.dimension_semantics<core_parallel>, #tpu.dimension_semantics<subcore_parallel>], iteration_bounds = array<i64: 2, 16>, scalar_prefetch = 0 : i64, scratch_operands = 7 : i64, tpu.core_type = #tpu.core_type<sc_vector_subcore>, window_params = [{transform_indices = #map}, {transform_indices = #map1}, {transform_indices = #map}]} {
    %mul3A = arith.constant 16 : i32
    %mul3A_0 = arith.muli %arg0, %mul3A : i32
    %add3A = arith.addi %mul3A_0, %arg1 : i32
    %mul3A_1 = arith.constant 79 : i32
    %mul3A_2 = arith.muli %add3A, %mul3A_1 : i32
    %scan3A = arith.constant 0 : i32
    %scan3A_3 = arith.constant 0 : i32
    %scan3A_4 = arith.constant 128 : i32
    %scan3A_5 = arith.addi %scan3A_3, %scan3A_4 : i32
    %scan3A_6 = arith.constant 1 : i32
    scf.for %scan3A_27 = %scan3A_3 to %scan3A_5 step %scan3A_6  : i32 {
      %scan3A_28 = arith.constant 0 : i32
      %scan3A_29 = arith.constant 8 : i32
      %scan3A_30 = arith.addi %scan3A_28, %scan3A_29 : i32
      %scan3A_31 = arith.constant 1 : i32
      scf.for %scan3A_33 = %scan3A_28 to %scan3A_30 step %scan3A_31  : i32 {
        %broadcast_in_dim3A = arith.constant 0.000000e+00 : f32
        %broadcast_in_dim3A_34 = vector.broadcast %broadcast_in_dim3A : f32 to vector<16xf32>
        %mul3A_35 = arith.constant 16 : i32
        %mul3A_36 = arith.muli %scan3A_33, %mul3A_35 : i32
        %swap3A = arith.index_cast %scan3A_27 : i32 to index
        %swap3A_37 = arith.index_cast %mul3A_36 : i32 to index
        %swap3A_38 = tpu.vector_load %arg8[%swap3A, %swap3A_37] {strides = array<i32>} : memref<128x128xf32, #tpu.memory_space<vmem>>, vector<1x16xf32>,
        %swap3A_39 = vector.shape_cast %swap3A_38 : vector<1x16xf32> to vector<16xf32>
        %swap3A_40 = vector.shape_cast %broadcast_in_dim3A_34 : vector<16xf32> to vector<1x16xf32>
        tpu.vector_store %arg8[%swap3A, %swap3A_37], %swap3A_40 {strides = array<i32>} : memref<128x128xf32, #tpu.memory_space<vmem>>, vector<1x16xf32>,
      }
      %scan3A_32 = arith.constant 8 : i32
    }
    %scan3A_7 = arith.constant 128 : i32
    %scan3A_8 = arith.constant 0 : i32
    %scan3A_9 = arith.constant 0 : i32
    %scan3A_10 = arith.constant 5 : i32
    %scan3A_11 = arith.addi %scan3A_9, %scan3A_10 : i32
    %scan3A_12 = arith.constant 1 : i32
    scf.for %scan3A_27 = %scan3A_9 to %scan3A_11 step %scan3A_12  : i32 {
      %mul3A_28 = arith.constant 640 : i32
      %mul3A_29 = arith.muli %arg1, %mul3A_28 : i32
      %mul3A_30 = arith.constant 128 : i32
      %mul3A_31 = arith.muli %scan3A_27, %mul3A_30 : i32
      %add3A_32 = arith.addi %mul3A_29, %mul3A_31 : i32
      "tpu.region"() ({
        %run_scoped3A = tpu.sem_alloc : memref<!tpu.dma_semaphore, #tpu.memory_space<semaphore_mem>>
        %dma_start3A = arith.constant 0 : i32
        %dma_start3A_33 = tpu.memref_slice %arg9[%add3A_32, %dma_start3A] : memref<10240x128xf32, #tpu.memory_space<vmem_shared>> -> memref<128x128xf32, #tpu.memory_space<vmem_shared>>
        %dma_start3A_34 = arith.constant 0 : i32
        %dma_start3A_35 = tpu.memref_slice %arg9[%add3A_32, %dma_start3A_34] : memref<10240x128xf32, #tpu.memory_space<vmem_shared>> -> memref<128x128xf32, #tpu.memory_space<vmem_shared>>
        tpu.enqueue_dma source(%arg8 : memref<128x128xf32, #tpu.memory_space<vmem>>) target(%dma_start3A_35 : memref<128x128xf32, #tpu.memory_space<vmem_shared>>) target_semaphore(%run_scoped3A : memref<!tpu.dma_semaphore, #tpu.memory_space<semaphore_mem>>)
        %dma_wait3A = arith.constant 0 : i32
        %dma_wait3A_36 = tpu.memref_slice %arg9[%add3A_32, %dma_wait3A] : memref<10240x128xf32, #tpu.memory_space<vmem_shared>> -> memref<128x128xf32, #tpu.memory_space<vmem_shared>>
        %dma_wait3A_37 = arith.constant 0 : i32
        %dma_wait3A_38 = tpu.memref_slice %arg9[%add3A_32, %dma_wait3A_37] : memref<10240x128xf32, #tpu.memory_space<vmem_shared>> -> memref<128x128xf32, #tpu.memory_space<vmem_shared>>
        tpu.wait_dma2 semaphore(%run_scoped3A : memref<!tpu.dma_semaphore, #tpu.memory_space<semaphore_mem>>) src(%arg8 : memref<128x128xf32, #tpu.memory_space<vmem>>) dst(%dma_wait3A_38 : memref<128x128xf32, #tpu.memory_space<vmem_shared>>)
        tpu.yield
      }) : () -> ()
    }
    %scan3A_13 = arith.constant 5 : i32
    %barrier3A = arith.constant 0 : index
    tpu.barrier barrier_id(%barrier3A)
    %scan3A_14 = arith.constant 0 : i32
    %scan3A_15 = arith.constant 0 : i32
    %scan3A_16 = arith.constant 79 : i32
    %scan3A_17 = arith.addi %scan3A_15, %scan3A_16 : i32
    %scan3A_18 = arith.constant 1 : i32
    scf.for %scan3A_27 = %scan3A_15 to %scan3A_17 step %scan3A_18  : i32 {
      %add3A_28 = arith.addi %mul3A_2, %scan3A_27 : i32
      "tpu.region"() ({
        %run_scoped3A = tpu.sem_alloc : memref<!tpu.dma_semaphore, #tpu.memory_space<semaphore_mem>>
        %dma_start3A_45 = arith.constant 0 : i32
        %dma_start3A_46 = arith.constant 0 : i32
        %dma_start3A_47 = tpu.memref_slice %arg2[%add3A_28, %dma_start3A_45, %dma_start3A_46] : memref<2528x2x128xi32, #tpu.memory_space<hbm>> -> memref<1x2x128xi32, #tpu.memory_space<hbm>>
        %dma_start3A_48 = tpu.memref_squeeze %dma_start3A_47 : memref<1x2x128xi32, #tpu.memory_space<hbm>> -> memref<2x128xi32, #tpu.memory_space<hbm>>
        %dma_start3A_49 = arith.constant 0 : i32
        %dma_start3A_50 = arith.constant 0 : i32
        %dma_start3A_51 = tpu.memref_slice %arg2[%add3A_28, %dma_start3A_49, %dma_start3A_50] : memref<2528x2x128xi32, #tpu.memory_space<hbm>> -> memref<1x2x128xi32, #tpu.memory_space<hbm>>
        %dma_start3A_52 = tpu.memref_squeeze %dma_start3A_51 : memref<1x2x128xi32, #tpu.memory_space<hbm>> -> memref<2x128xi32, #tpu.memory_space<hbm>>
        tpu.enqueue_dma source(%dma_start3A_52 : memref<2x128xi32, #tpu.memory_space<hbm>>) target(%arg5 : memref<2x128xi32, #tpu.memory_space<vmem>>) target_semaphore(%run_scoped3A : memref<!tpu.dma_semaphore, #tpu.memory_space<semaphore_mem>>)
        %dma_wait3A_53 = arith.constant 0 : i32
        %dma_wait3A_54 = arith.constant 0 : i32
        %dma_wait3A_55 = tpu.memref_slice %arg2[%add3A_28, %dma_wait3A_53, %dma_wait3A_54] : memref<2528x2x128xi32, #tpu.memory_space<hbm>> -> memref<1x2x128xi32, #tpu.memory_space<hbm>>
        %dma_wait3A_56 = tpu.memref_squeeze %dma_wait3A_55 : memref<1x2x128xi32, #tpu.memory_space<hbm>> -> memref<2x128xi32, #tpu.memory_space<hbm>>
        %dma_wait3A_57 = arith.constant 0 : i32
        %dma_wait3A_58 = arith.constant 0 : i32
        %dma_wait3A_59 = tpu.memref_slice %arg2[%add3A_28, %dma_wait3A_57, %dma_wait3A_58] : memref<2528x2x128xi32, #tpu.memory_space<hbm>> -> memref<1x2x128xi32, #tpu.memory_space<hbm>>
        %dma_wait3A_60 = tpu.memref_squeeze %dma_wait3A_59 : memref<1x2x128xi32, #tpu.memory_space<hbm>> -> memref<2x128xi32, #tpu.memory_space<hbm>>
        tpu.wait_dma2 semaphore(%run_scoped3A : memref<!tpu.dma_semaphore, #tpu.memory_space<semaphore_mem>>) src(%dma_wait3A_60 : memref<2x128xi32, #tpu.memory_space<hbm>>) dst(%arg5 : memref<2x128xi32, #tpu.memory_space<vmem>>)
        tpu.yield
      }) : () -> ()
      %scan3A_29 = arith.constant 0 : i32
      %scan3A_30 = arith.constant 0 : i32
      %scan3A_31 = arith.constant 8 : i32
      %scan3A_32 = arith.addi %scan3A_30, %scan3A_31 : i32
      %scan3A_33 = arith.constant 1 : i32
      scf.for %scan3A_45 = %scan3A_30 to %scan3A_32 step %scan3A_33  : i32 {
        %mul3A_46 = arith.constant 16 : i32
        %mul3A_47 = arith.muli %scan3A_45, %mul3A_46 : i32
        %get3A = arith.constant 0 : i32
        %get3A_48 = arith.index_cast %get3A : i32 to index
        %get3A_49 = arith.index_cast %mul3A_47 : i32 to index
        %get3A_50 = tpu.vector_load %arg5[%get3A_48, %get3A_49] {strides = array<i32>} : memref<2x128xi32, #tpu.memory_space<vmem>>, vector<1x16xi32>,
        %get3A_51 = vector.shape_cast %get3A_50 : vector<1x16xi32> to vector<16xi32>
        %mul3A_52 = arith.constant 16 : i32
        %mul3A_53 = arith.muli %scan3A_45, %mul3A_52 : i32
        %swap3A = arith.index_cast %mul3A_53 : i32 to index
        %swap3A_54 = tpu.vector_load %arg6[%swap3A] {strides = array<i32>} : memref<128xi32, #tpu.memory_space<vmem>>, vector<16xi32>,
        %swap3A_55 = vector.shape_cast %swap3A_54 : vector<16xi32> to vector<16xi32>
        %swap3A_56 = vector.shape_cast %get3A_51 : vector<16xi32> to vector<16xi32>
        tpu.vector_store %arg6[%swap3A], %swap3A_56 {strides = array<i32>} : memref<128xi32, #tpu.memory_space<vmem>>, vector<16xi32>,
        %mul3A_57 = arith.constant 16 : i32
        %mul3A_58 = arith.muli %scan3A_45, %mul3A_57 : i32
        %get3A_59 = arith.constant 1 : i32
        %get3A_60 = arith.index_cast %get3A_59 : i32 to index
        %get3A_61 = arith.index_cast %mul3A_58 : i32 to index
        %get3A_62 = tpu.vector_load %arg5[%get3A_60, %get3A_61] {strides = array<i32>} : memref<2x128xi32, #tpu.memory_space<vmem>>, vector<1x16xi32>,
        %get3A_63 = vector.shape_cast %get3A_62 : vector<1x16xi32> to vector<16xi32>
        %mul3A_64 = arith.constant 16 : i32
        %mul3A_65 = arith.muli %scan3A_45, %mul3A_64 : i32
        %swap3A_66 = arith.index_cast %mul3A_65 : i32 to index
        %swap3A_67 = tpu.vector_load %arg7[%swap3A_66] {strides = array<i32>} : memref<128xi32, #tpu.memory_space<vmem>>, vector<16xi32>,
        %swap3A_68 = vector.shape_cast %swap3A_67 : vector<16xi32> to vector<16xi32>
        %swap3A_69 = vector.shape_cast %get3A_63 : vector<16xi32> to vector<16xi32>
        tpu.vector_store %arg7[%swap3A_66], %swap3A_69 {strides = array<i32>} : memref<128xi32, #tpu.memory_space<vmem>>, vector<16xi32>,
      }
      %scan3A_34 = arith.constant 8 : i32
      %dma_start3A = arith.constant 0 : i32
      %dma_start3A_35 = arith.constant 0 : i32
      %dma_start3A_36 = tpu.memref_slice %arg3[%dma_start3A, %dma_start3A_35] : memref<10000x128xf32, #tpu.memory_space<hbm>> -> memref<10000x128xf32, #tpu.memory_space<hbm>>
      tpu.enqueue_indirect_dma source(%dma_start3A_36 : memref<10000x128xf32, #tpu.memory_space<hbm>>) target(%arg8 : memref<128x128xf32, #tpu.memory_space<vmem>>) offsets(%arg6 : memref<128xi32, #tpu.memory_space<vmem>>) semaphore(%arg10 : memref<!tpu.dma_semaphore, #tpu.memory_space<semaphore_mem>>)
      %dma_wait3A = arith.constant 0 : i32
      %dma_wait3A_37 = arith.constant 0 : i32
      %dma_wait3A_38 = tpu.memref_slice %arg3[%dma_wait3A, %dma_wait3A_37] : memref<10000x128xf32, #tpu.memory_space<hbm>> -> memref<10000x128xf32, #tpu.memory_space<hbm>>
      tpu.wait_indirect_dma semaphore(%arg10 : memref<!tpu.dma_semaphore, #tpu.memory_space<semaphore_mem>>) src(%dma_wait3A_38 : memref<10000x128xf32, #tpu.memory_space<hbm>>) dst(%arg8 : memref<128x128xf32, #tpu.memory_space<vmem>>)
      %dma_start3A_39 = arith.constant 0 : i32
      %dma_start3A_40 = arith.constant 0 : i32
      %dma_start3A_41 = tpu.memref_slice %arg9[%dma_start3A_39, %dma_start3A_40] : memref<10240x128xf32, #tpu.memory_space<vmem_shared>> -> memref<10240x128xf32, #tpu.memory_space<vmem_shared>>
      tpu.enqueue_indirect_dma source(%arg8 : memref<128x128xf32, #tpu.memory_space<vmem>>) target(%dma_start3A_41 : memref<10240x128xf32, #tpu.memory_space<vmem_shared>>) offsets(%arg7 : memref<128xi32, #tpu.memory_space<vmem>>) semaphore(%arg11 : memref<!tpu.dma_semaphore, #tpu.memory_space<semaphore_mem>>) {add = true}
      %dma_wait3A_42 = arith.constant 0 : i32
      %dma_wait3A_43 = arith.constant 0 : i32
      %dma_wait3A_44 = tpu.memref_slice %arg9[%dma_wait3A_42, %dma_wait3A_43] : memref<10240x128xf32, #tpu.memory_space<vmem_shared>> -> memref<10240x128xf32, #tpu.memory_space<vmem_shared>>
      tpu.wait_indirect_dma semaphore(%arg11 : memref<!tpu.dma_semaphore, #tpu.memory_space<semaphore_mem>>) src(%arg8 : memref<128x128xf32, #tpu.memory_space<vmem>>) dst(%dma_wait3A_44 : memref<10240x128xf32, #tpu.memory_space<vmem_shared>>)
    }
    %scan3A_19 = arith.constant 79 : i32
    %barrier3A_20 = arith.constant 0 : index
    tpu.barrier barrier_id(%barrier3A_20)
    %scan3A_21 = arith.constant 0 : i32
    %scan3A_22 = arith.constant 0 : i32
    %scan3A_23 = arith.constant 5 : i32
    %scan3A_24 = arith.addi %scan3A_22, %scan3A_23 : i32
    %scan3A_25 = arith.constant 1 : i32
    scf.for %scan3A_27 = %scan3A_22 to %scan3A_24 step %scan3A_25  : i32 {
      %mul3A_28 = arith.constant 640 : i32
      %mul3A_29 = arith.muli %arg1, %mul3A_28 : i32
      %mul3A_30 = arith.constant 128 : i32
      %mul3A_31 = arith.muli %scan3A_27, %mul3A_30 : i32
      %add3A_32 = arith.addi %mul3A_29, %mul3A_31 : i32
      "tpu.region"() ({
        %run_scoped3A = tpu.sem_alloc : memref<!tpu.dma_semaphore, #tpu.memory_space<semaphore_mem>>
        %dma_start3A = arith.constant 0 : i32
        %dma_start3A_38 = tpu.memref_slice %arg9[%add3A_32, %dma_start3A] : memref<10240x128xf32, #tpu.memory_space<vmem_shared>> -> memref<128x128xf32, #tpu.memory_space<vmem_shared>>
        %dma_start3A_39 = arith.constant 0 : i32
        %dma_start3A_40 = tpu.memref_slice %arg9[%add3A_32, %dma_start3A_39] : memref<10240x128xf32, #tpu.memory_space<vmem_shared>> -> memref<128x128xf32, #tpu.memory_space<vmem_shared>>
        tpu.enqueue_dma source(%dma_start3A_40 : memref<128x128xf32, #tpu.memory_space<vmem_shared>>) target(%arg8 : memref<128x128xf32, #tpu.memory_space<vmem>>) target_semaphore(%run_scoped3A : memref<!tpu.dma_semaphore, #tpu.memory_space<semaphore_mem>>)
        %dma_wait3A = arith.constant 0 : i32
        %dma_wait3A_41 = tpu.memref_slice %arg9[%add3A_32, %dma_wait3A] : memref<10240x128xf32, #tpu.memory_space<vmem_shared>> -> memref<128x128xf32, #tpu.memory_space<vmem_shared>>
        %dma_wait3A_42 = arith.constant 0 : i32
        %dma_wait3A_43 = tpu.memref_slice %arg9[%add3A_32, %dma_wait3A_42] : memref<10240x128xf32, #tpu.memory_space<vmem_shared>> -> memref<128x128xf32, #tpu.memory_space<vmem_shared>>
        tpu.wait_dma2 semaphore(%run_scoped3A : memref<!tpu.dma_semaphore, #tpu.memory_space<semaphore_mem>>) src(%dma_wait3A_43 : memref<128x128xf32, #tpu.memory_space<vmem_shared>>) dst(%arg8 : memref<128x128xf32, #tpu.memory_space<vmem>>)
        tpu.yield
      }) : () -> ()
      %mul3A_33 = arith.constant 640 : i32
      %mul3A_34 = arith.muli %arg1, %mul3A_33 : i32
      %mul3A_35 = arith.constant 128 : i32
      %mul3A_36 = arith.muli %scan3A_27, %mul3A_35 : i32
      %add3A_37 = arith.addi %mul3A_34, %mul3A_36 : i32
      "tpu.region"() ({
        %run_scoped3A = tpu.sem_alloc : memref<!tpu.dma_semaphore, #tpu.memory_space<semaphore_mem>>
        %dma_start3A = arith.constant 0 : i32
        %dma_start3A_38 = tpu.memref_slice %arg4[%arg0, %add3A_37, %dma_start3A] : memref<2x10240x128xf32, #tpu.memory_space<hbm>> -> memref<1x128x128xf32, #tpu.memory_space<hbm>>
        %dma_start3A_39 = tpu.memref_squeeze %dma_start3A_38 : memref<1x128x128xf32, #tpu.memory_space<hbm>> -> memref<128x128xf32, #tpu.memory_space<hbm>>
        %dma_start3A_40 = arith.constant 0 : i32
        %dma_start3A_41 = tpu.memref_slice %arg4[%arg0, %add3A_37, %dma_start3A_40] : memref<2x10240x128xf32, #tpu.memory_space<hbm>> -> memref<1x128x128xf32, #tpu.memory_space<hbm>>
        %dma_start3A_42 = tpu.memref_squeeze %dma_start3A_41 : memref<1x128x128xf32, #tpu.memory_space<hbm>> -> memref<128x128xf32, #tpu.memory_space<hbm>>
        tpu.enqueue_dma source(%arg8 : memref<128x128xf32, #tpu.memory_space<vmem>>) target(%dma_start3A_42 : memref<128x128xf32, #tpu.memory_space<hbm>>) target_semaphore(%run_scoped3A : memref<!tpu.dma_semaphore, #tpu.memory_space<semaphore_mem>>)
        %dma_wait3A = arith.constant 0 : i32
        %dma_wait3A_43 = tpu.memref_slice %arg4[%arg0, %add3A_37, %dma_wait3A] : memref<2x10240x128xf32, #tpu.memory_space<hbm>> -> memref<1x128x128xf32, #tpu.memory_space<hbm>>
        %dma_wait3A_44 = tpu.memref_squeeze %dma_wait3A_43 : memref<1x128x128xf32, #tpu.memory_space<hbm>> -> memref<128x128xf32, #tpu.memory_space<hbm>>
        %dma_wait3A_45 = arith.constant 0 : i32
        %dma_wait3A_46 = tpu.memref_slice %arg4[%arg0, %add3A_37, %dma_wait3A_45] : memref<2x10240x128xf32, #tpu.memory_space<hbm>> -> memref<1x128x128xf32, #tpu.memory_space<hbm>>
        %dma_wait3A_47 = tpu.memref_squeeze %dma_wait3A_46 : memref<1x128x128xf32, #tpu.memory_space<hbm>> -> memref<128x128xf32, #tpu.memory_space<hbm>>
        tpu.wait_dma2 semaphore(%run_scoped3A : memref<!tpu.dma_semaphore, #tpu.memory_space<semaphore_mem>>) src(%arg8 : memref<128x128xf32, #tpu.memory_space<vmem>>) dst(%dma_wait3A_47 : memref<128x128xf32, #tpu.memory_space<hbm>>)
        tpu.yield
      }) : () -> ()
    }
    %scan3A_26 = arith.constant 5 : i32
    return
  }
}

module attributes {stable_mosaic.version = 14 : i64} {
  func.func @body(%arg0: i32, %arg1: memref<2000x128xf32, #tpu.memory_space<vmem>>, %arg2: memref<128x128xf32, #tpu.memory_space<vmem>>, %arg3: memref<2x2000x8xf32, #tpu.memory_space<vmem>>, %arg4: memref<2000x128xf32, #tpu.memory_space<vmem>>, %arg5: memref<2000x128xf32, #tpu.memory_space<vmem>>) attributes {dimension_semantics = [#tpu.dimension_semantics<arbitrary>], iteration_bounds = array<i64: 5>, scalar_prefetch = 0 : i64, scratch_operands = 0 : i64, tpu.core_type = #tpu.core_type<tc>, window_params = [{transform_indices = @transform_0, window_bounds = array<i64: 2000, 128>}, {pipeline_mode = #tpu.pipeline_mode<synchronous>, transform_indices = @transform_1, window_bounds = array<i64: 128, 128>}, {transform_indices = @transform_2, window_bounds = array<i64: 2, 2000, 8>}, {transform_indices = @transform_3, window_bounds = array<i64: 2000, 128>}, {transform_indices = @transform_4, window_bounds = array<i64: 2000, 128>}]} {
    %get3A = arith.constant 0 : index
    %get3A_0 = arith.constant 0 : index
    %get3A_1 = arith.constant 0 : index
    %get3A_2 = vector.load %arg3[%get3A, %get3A_0, %get3A_1] : memref<2x2000x8xf32, #tpu.memory_space<vmem>>, vector<1x2000x1xf32>
    %get3A_3 = vector.shape_cast %get3A_2 : vector<1x2000x1xf32> to vector<2000x1xf32>
    %get3A_4 = arith.constant 1 : index
    %get3A_5 = arith.constant 0 : index
    %get3A_6 = arith.constant 0 : index
    %get3A_7 = vector.load %arg3[%get3A_4, %get3A_5, %get3A_6] : memref<2x2000x8xf32, #tpu.memory_space<vmem>>, vector<1x2000x1xf32>
    %get3A_8 = vector.shape_cast %get3A_7 : vector<1x2000x1xf32> to vector<2000x1xf32>
    %add3A = arith.addf %get3A_3, %get3A_8 : vector<2000x1xf32>
    %add3A_9 = arith.constant 1.000000e+00 : f32
    %add3A_10 = vector.broadcast %add3A_9 : f32 to vector<2000x1xf32>
    %add3A_11 = arith.addf %add3A, %add3A_10 : vector<2000x1xf32>
    %rsqrt3A = math.rsqrt %add3A_11 : vector<2000x1xf32>
    %get3A_12 = arith.constant 0 : index
    %get3A_13 = arith.constant 0 : index
    %get3A_14 = vector.load %arg1[%get3A_12, %get3A_13] : memref<2000x128xf32, #tpu.memory_space<vmem>>, vector<2000x128xf32>
    %get3A_15 = arith.constant 0 : index
    %get3A_16 = arith.constant 0 : index
    %get3A_17 = vector.load %arg2[%get3A_15, %get3A_16] : memref<128x128xf32, #tpu.memory_space<vmem>>, vector<128x128xf32>
    %dot_general3A = arith.constant dense<0.000000e+00> : vector<2000x128xf32>
    %dot_general3A_18 = tpu.matmul %get3A_14, %get3A_17, %dot_general3A {dimension_numbers = #tpu.dot_dimension_numbers<[1], [0], [0], [1], [0, 0, 1, 1], [], []>, transpose_lhs_hint = false} : vector<2000x128xf32>, vector<128x128xf32>, vector<2000x128xf32> -> vector<2000x128xf32>
    %swap3A = arith.constant 0 : index
    %swap3A_19 = arith.constant 0 : index
    %swap3A_20 = vector.load %arg4[%swap3A, %swap3A_19] : memref<2000x128xf32, #tpu.memory_space<vmem>>, vector<2000x128xf32>
    tpu.vector_store %arg4[%swap3A, %swap3A_19], %dot_general3A_18 {strides = array<i32>} : memref<2000x128xf32, #tpu.memory_space<vmem>>, vector<2000x128xf32>,
    %mul3A = vector.broadcast %rsqrt3A : vector<2000x1xf32> to vector<2000x128xf32>
    %mul3A_21 = arith.mulf %dot_general3A_18, %mul3A : vector<2000x128xf32>
    %swap3A_22 = arith.constant 0 : index
    %swap3A_23 = arith.constant 0 : index
    %swap3A_24 = vector.load %arg5[%swap3A_22, %swap3A_23] : memref<2000x128xf32, #tpu.memory_space<vmem>>, vector<2000x128xf32>
    tpu.vector_store %arg5[%swap3A_22, %swap3A_23], %mul3A_21 {strides = array<i32>} : memref<2000x128xf32, #tpu.memory_space<vmem>>, vector<2000x128xf32>,
    return
  }
  func.func @transform_0(%arg0: i32) -> (i32, i32) {
    %c0_i32 = arith.constant 0 : i32
    %c0_i32_0 = arith.constant 0 : i32
    return %arg0, %c0_i32 : i32, i32
  }
  func.func @transform_1(%arg0: i32) -> (i32, i32) {
    %c0_i32 = arith.constant 0 : i32
    %c0_i32_0 = arith.constant 0 : i32
    %c0_i32_1 = arith.constant 0 : i32
    return %c0_i32, %c0_i32_0 : i32, i32
  }
  func.func @transform_2(%arg0: i32) -> (i32, i32, i32) {
    %c0_i32 = arith.constant 0 : i32
    %c0_i32_0 = arith.constant 0 : i32
    %c0_i32_1 = arith.constant 0 : i32
    return %c0_i32, %arg0, %c0_i32_0 : i32, i32, i32
  }
  func.func @transform_3(%arg0: i32) -> (i32, i32) {
    %c0_i32 = arith.constant 0 : i32
    %c0_i32_0 = arith.constant 0 : i32
    return %arg0, %c0_i32 : i32, i32
  }
  func.func @transform_4(%arg0: i32) -> (i32, i32) {
    %c0_i32 = arith.constant 0 : i32
    %c0_i32_0 = arith.constant 0 : i32
    return %arg0, %c0_i32 : i32, i32
  }
}

module attributes {stable_mosaic.version = 14 : i64} {
  func.func @body(%arg0: i32, %arg1: memref<2x2000x128xf32, #tpu.memory_space<vmem>>, %arg2: memref<2000x128xf32, #tpu.memory_space<vmem>>, %arg3: memref<2x2000x8xf32, #tpu.memory_space<vmem>>, %arg4: memref<1x128xf32, #tpu.memory_space<vmem>>, %arg5: memref<128x128xf32, #tpu.memory_space<vmem>>, %arg6: memref<2000x128xf32, #tpu.memory_space<vmem>>, %arg7: memref<2000x128xf32, #tpu.memory_space<vmem>>) attributes {dimension_semantics = [#tpu.dimension_semantics<arbitrary>], iteration_bounds = array<i64: 5>, scalar_prefetch = 0 : i64, scratch_operands = 0 : i64, tpu.core_type = #tpu.core_type<tc>, window_params = [{transform_indices = @transform_0, window_bounds = array<i64: 2, 2000, 128>}, {transform_indices = @transform_1, window_bounds = array<i64: 2000, 128>}, {transform_indices = @transform_2, window_bounds = array<i64: 2, 2000, 8>}, {pipeline_mode = #tpu.pipeline_mode<synchronous>, transform_indices = @transform_3, window_bounds = array<i64: 1, 128>}, {pipeline_mode = #tpu.pipeline_mode<synchronous>, transform_indices = @transform_4, window_bounds = array<i64: 128, 128>}, {transform_indices = @transform_5, window_bounds = array<i64: 2000, 128>}, {transform_indices = @transform_6, window_bounds = array<i64: 2000, 128>}]} {
    %get3A = arith.constant 0 : index
    %get3A_0 = arith.constant 0 : index
    %get3A_1 = arith.constant 0 : index
    %get3A_2 = vector.load %arg3[%get3A, %get3A_0, %get3A_1] : memref<2x2000x8xf32, #tpu.memory_space<vmem>>, vector<1x2000x1xf32>
    %get3A_3 = vector.shape_cast %get3A_2 : vector<1x2000x1xf32> to vector<2000x1xf32>
    %get3A_4 = arith.constant 1 : index
    %get3A_5 = arith.constant 0 : index
    %get3A_6 = arith.constant 0 : index
    %get3A_7 = vector.load %arg3[%get3A_4, %get3A_5, %get3A_6] : memref<2x2000x8xf32, #tpu.memory_space<vmem>>, vector<1x2000x1xf32>
    %get3A_8 = vector.shape_cast %get3A_7 : vector<1x2000x1xf32> to vector<2000x1xf32>
    %add3A = arith.addf %get3A_3, %get3A_8 : vector<2000x1xf32>
    %add3A_9 = arith.constant 1.000000e+00 : f32
    %add3A_10 = vector.broadcast %add3A_9 : f32 to vector<2000x1xf32>
    %add3A_11 = arith.addf %add3A, %add3A_10 : vector<2000x1xf32>
    %rsqrt3A = math.rsqrt %add3A_11 : vector<2000x1xf32>
    %get3A_12 = arith.constant 0 : index
    %get3A_13 = arith.constant 0 : index
    %get3A_14 = arith.constant 0 : index
    %get3A_15 = vector.load %arg1[%get3A_12, %get3A_13, %get3A_14] : memref<2x2000x128xf32, #tpu.memory_space<vmem>>, vector<1x2000x128xf32>
    %get3A_16 = vector.shape_cast %get3A_15 : vector<1x2000x128xf32> to vector<2000x128xf32>
    %get3A_17 = arith.constant 1 : index
    %get3A_18 = arith.constant 0 : index
    %get3A_19 = arith.constant 0 : index
    %get3A_20 = vector.load %arg1[%get3A_17, %get3A_18, %get3A_19] : memref<2x2000x128xf32, #tpu.memory_space<vmem>>, vector<1x2000x128xf32>
    %get3A_21 = vector.shape_cast %get3A_20 : vector<1x2000x128xf32> to vector<2000x128xf32>
    %add3A_22 = arith.addf %get3A_16, %get3A_21 : vector<2000x128xf32>
    %mul3A = vector.broadcast %rsqrt3A : vector<2000x1xf32> to vector<2000x128xf32>
    %mul3A_23 = arith.mulf %mul3A, %add3A_22 : vector<2000x128xf32>
    %mul3A_24 = arith.mulf %rsqrt3A, %rsqrt3A : vector<2000x1xf32>
    %get3A_25 = arith.constant 0 : index
    %get3A_26 = arith.constant 0 : index
    %get3A_27 = vector.load %arg2[%get3A_25, %get3A_26] : memref<2000x128xf32, #tpu.memory_space<vmem>>, vector<2000x128xf32>
    %mul3A_28 = vector.broadcast %mul3A_24 : vector<2000x1xf32> to vector<2000x128xf32>
    %mul3A_29 = arith.mulf %mul3A_28, %get3A_27 : vector<2000x128xf32>
    %add3A_30 = arith.addf %mul3A_23, %mul3A_29 : vector<2000x128xf32>
    %get3A_31 = arith.constant 0 : index
    %get3A_32 = arith.constant 0 : index
    %get3A_33 = vector.load %arg4[%get3A_31, %get3A_32] : memref<1x128xf32, #tpu.memory_space<vmem>>, vector<1x128xf32>
    %add3A_34 = vector.broadcast %get3A_33 : vector<1x128xf32> to vector<2000x128xf32>
    %add3A_35 = arith.addf %add3A_30, %add3A_34 : vector<2000x128xf32>
    %max3A = arith.constant 0.000000e+00 : f32
    %max3A_36 = vector.broadcast %max3A : f32 to vector<2000x128xf32>
    %max3A_37 = arith.maximumf %add3A_35, %max3A_36 : vector<2000x128xf32>
    %get3A_38 = arith.constant 0 : index
    %get3A_39 = arith.constant 0 : index
    %get3A_40 = vector.load %arg5[%get3A_38, %get3A_39] : memref<128x128xf32, #tpu.memory_space<vmem>>, vector<128x128xf32>
    %dot_general3A = arith.constant dense<0.000000e+00> : vector<2000x128xf32>
    %dot_general3A_41 = tpu.matmul %max3A_37, %get3A_40, %dot_general3A {dimension_numbers = #tpu.dot_dimension_numbers<[1], [0], [0], [1], [0, 0, 1, 1], [], []>, transpose_lhs_hint = false} : vector<2000x128xf32>, vector<128x128xf32>, vector<2000x128xf32> -> vector<2000x128xf32>
    %swap3A = arith.constant 0 : index
    %swap3A_42 = arith.constant 0 : index
    %swap3A_43 = vector.load %arg6[%swap3A, %swap3A_42] : memref<2000x128xf32, #tpu.memory_space<vmem>>, vector<2000x128xf32>
    tpu.vector_store %arg6[%swap3A, %swap3A_42], %dot_general3A_41 {strides = array<i32>} : memref<2000x128xf32, #tpu.memory_space<vmem>>, vector<2000x128xf32>,
    %mul3A_44 = vector.broadcast %rsqrt3A : vector<2000x1xf32> to vector<2000x128xf32>
    %mul3A_45 = arith.mulf %dot_general3A_41, %mul3A_44 : vector<2000x128xf32>
    %swap3A_46 = arith.constant 0 : index
    %swap3A_47 = arith.constant 0 : index
    %swap3A_48 = vector.load %arg7[%swap3A_46, %swap3A_47] : memref<2000x128xf32, #tpu.memory_space<vmem>>, vector<2000x128xf32>
    tpu.vector_store %arg7[%swap3A_46, %swap3A_47], %mul3A_45 {strides = array<i32>} : memref<2000x128xf32, #tpu.memory_space<vmem>>, vector<2000x128xf32>,
    return
  }
  func.func @transform_0(%arg0: i32) -> (i32, i32, i32) {
    %c0_i32 = arith.constant 0 : i32
    %c0_i32_0 = arith.constant 0 : i32
    %c0_i32_1 = arith.constant 0 : i32
    return %c0_i32, %arg0, %c0_i32_0 : i32, i32, i32
  }
  func.func @transform_1(%arg0: i32) -> (i32, i32) {
    %c0_i32 = arith.constant 0 : i32
    %c0_i32_0 = arith.constant 0 : i32
    return %arg0, %c0_i32 : i32, i32
  }
  func.func @transform_2(%arg0: i32) -> (i32, i32, i32) {
    %c0_i32 = arith.constant 0 : i32
    %c0_i32_0 = arith.constant 0 : i32
    %c0_i32_1 = arith.constant 0 : i32
    return %c0_i32, %arg0, %c0_i32_0 : i32, i32, i32
  }
  func.func @transform_3(%arg0: i32) -> (i32, i32) {
    %c0_i32 = arith.constant 0 : i32
    %c0_i32_0 = arith.constant 0 : i32
    %c0_i32_1 = arith.constant 0 : i32
    return %c0_i32, %c0_i32_0 : i32, i32
  }
  func.func @transform_4(%arg0: i32) -> (i32, i32) {
    %c0_i32 = arith.constant 0 : i32
    %c0_i32_0 = arith.constant 0 : i32
    %c0_i32_1 = arith.constant 0 : i32
    return %c0_i32, %c0_i32_0 : i32, i32
  }
  func.func @transform_5(%arg0: i32) -> (i32, i32) {
    %c0_i32 = arith.constant 0 : i32
    %c0_i32_0 = arith.constant 0 : i32
    return %arg0, %c0_i32 : i32, i32
  }
  func.func @transform_6(%arg0: i32) -> (i32, i32) {
    %c0_i32 = arith.constant 0 : i32
    %c0_i32_0 = arith.constant 0 : i32
    return %arg0, %c0_i32 : i32, i32
  }
}

module attributes {stable_mosaic.version = 14 : i64} {
  func.func @body(%arg0: i32, %arg1: memref<2x2000x128xf32, #tpu.memory_space<vmem>>, %arg2: memref<2000x128xf32, #tpu.memory_space<vmem>>, %arg3: memref<2x2000x8xf32, #tpu.memory_space<vmem>>, %arg4: memref<1x128xf32, #tpu.memory_space<vmem>>, %arg5: memref<128x128xf32, #tpu.memory_space<vmem>>, %arg6: memref<1x128xf32, #tpu.memory_space<vmem>>, %arg7: memref<1x128xf32, #tpu.memory_space<vmem>>, %arg8: memref<2000x128xf32, #tpu.memory_space<vmem>>, %arg9: memref<1x128xf32, #tpu.memory_space<vmem>>) attributes {dimension_semantics = [#tpu.dimension_semantics<arbitrary>], iteration_bounds = array<i64: 5>, scalar_prefetch = 0 : i64, scratch_operands = 1 : i64, tpu.core_type = #tpu.core_type<tc>, window_params = [{transform_indices = @transform_0, window_bounds = array<i64: 2, 2000, 128>}, {transform_indices = @transform_1, window_bounds = array<i64: 2000, 128>}, {transform_indices = @transform_2, window_bounds = array<i64: 2, 2000, 8>}, {pipeline_mode = #tpu.pipeline_mode<synchronous>, transform_indices = @transform_3, window_bounds = array<i64: 1, 128>}, {pipeline_mode = #tpu.pipeline_mode<synchronous>, transform_indices = @transform_4, window_bounds = array<i64: 128, 128>}, {pipeline_mode = #tpu.pipeline_mode<synchronous>, transform_indices = @transform_5, window_bounds = array<i64: 1, 128>}, {pipeline_mode = #tpu.pipeline_mode<synchronous>, transform_indices = @transform_6, window_bounds = array<i64: 1, 128>}, {transform_indices = @transform_7, window_bounds = array<i64: 2000, 128>}]} {
    %eq3A = arith.constant 0 : i32
    %eq3A_0 = arith.cmpi eq, %arg0, %eq3A : i32
    %convert_element_type3A = arith.extui %eq3A_0 : i1 to i32
    %cond3A = arith.constant 0 : i32
    %cond3A_1 = arith.cmpi ne, %convert_element_type3A, %cond3A : i32
    scf.if %cond3A_1 {
      %broadcast_in_dim3A_53 = arith.constant 0.000000e+00 : f32
      %broadcast_in_dim3A_54 = vector.broadcast %broadcast_in_dim3A_53 : f32 to vector<1x128xf32>
      %swap3A_55 = arith.constant 0 : index
      %swap3A_56 = arith.constant 0 : index
      %swap3A_57 = vector.load %arg9[%swap3A_55, %swap3A_56] : memref<1x128xf32, #tpu.memory_space<vmem>>, vector<1x128xf32>
      tpu.vector_store %arg9[%swap3A_55, %swap3A_56], %broadcast_in_dim3A_54 {strides = array<i32>} : memref<1x128xf32, #tpu.memory_space<vmem>>, vector<1x128xf32>,
    } else {
    }
    %get3A = arith.constant 0 : index
    %get3A_2 = arith.constant 0 : index
    %get3A_3 = arith.constant 0 : index
    %get3A_4 = vector.load %arg3[%get3A, %get3A_2, %get3A_3] : memref<2x2000x8xf32, #tpu.memory_space<vmem>>, vector<1x2000x1xf32>
    %get3A_5 = vector.shape_cast %get3A_4 : vector<1x2000x1xf32> to vector<2000x1xf32>
    %get3A_6 = arith.constant 1 : index
    %get3A_7 = arith.constant 0 : index
    %get3A_8 = arith.constant 0 : index
    %get3A_9 = vector.load %arg3[%get3A_6, %get3A_7, %get3A_8] : memref<2x2000x8xf32, #tpu.memory_space<vmem>>, vector<1x2000x1xf32>
    %get3A_10 = vector.shape_cast %get3A_9 : vector<1x2000x1xf32> to vector<2000x1xf32>
    %add3A = arith.addf %get3A_5, %get3A_10 : vector<2000x1xf32>
    %add3A_11 = arith.constant 1.000000e+00 : f32
    %add3A_12 = vector.broadcast %add3A_11 : f32 to vector<2000x1xf32>
    %add3A_13 = arith.addf %add3A, %add3A_12 : vector<2000x1xf32>
    %rsqrt3A = math.rsqrt %add3A_13 : vector<2000x1xf32>
    %get3A_14 = arith.constant 0 : index
    %get3A_15 = arith.constant 0 : index
    %get3A_16 = arith.constant 0 : index
    %get3A_17 = vector.load %arg1[%get3A_14, %get3A_15, %get3A_16] : memref<2x2000x128xf32, #tpu.memory_space<vmem>>, vector<1x2000x128xf32>
    %get3A_18 = vector.shape_cast %get3A_17 : vector<1x2000x128xf32> to vector<2000x128xf32>
    %get3A_19 = arith.constant 1 : index
    %get3A_20 = arith.constant 0 : index
    %get3A_21 = arith.constant 0 : index
    %get3A_22 = vector.load %arg1[%get3A_19, %get3A_20, %get3A_21] : memref<2x2000x128xf32, #tpu.memory_space<vmem>>, vector<1x2000x128xf32>
    %get3A_23 = vector.shape_cast %get3A_22 : vector<1x2000x128xf32> to vector<2000x128xf32>
    %add3A_24 = arith.addf %get3A_18, %get3A_23 : vector<2000x128xf32>
    %mul3A = vector.broadcast %rsqrt3A : vector<2000x1xf32> to vector<2000x128xf32>
    %mul3A_25 = arith.mulf %mul3A, %add3A_24 : vector<2000x128xf32>
    %mul3A_26 = arith.mulf %rsqrt3A, %rsqrt3A : vector<2000x1xf32>
    %get3A_27 = arith.constant 0 : index
    %get3A_28 = arith.constant 0 : index
    %get3A_29 = vector.load %arg2[%get3A_27, %get3A_28] : memref<2000x128xf32, #tpu.memory_space<vmem>>, vector<2000x128xf32>
    %mul3A_30 = vector.broadcast %mul3A_26 : vector<2000x1xf32> to vector<2000x128xf32>
    %mul3A_31 = arith.mulf %mul3A_30, %get3A_29 : vector<2000x128xf32>
    %add3A_32 = arith.addf %mul3A_25, %mul3A_31 : vector<2000x128xf32>
    %get3A_33 = arith.constant 0 : index
    %get3A_34 = arith.constant 0 : index
    %get3A_35 = vector.load %arg4[%get3A_33, %get3A_34] : memref<1x128xf32, #tpu.memory_space<vmem>>, vector<1x128xf32>
    %add3A_36 = vector.broadcast %get3A_35 : vector<1x128xf32> to vector<2000x128xf32>
    %add3A_37 = arith.addf %add3A_32, %add3A_36 : vector<2000x128xf32>
    %swap3A = arith.constant 0 : index
    %swap3A_38 = arith.constant 0 : index
    %swap3A_39 = vector.load %arg8[%swap3A, %swap3A_38] : memref<2000x128xf32, #tpu.memory_space<vmem>>, vector<2000x128xf32>
    tpu.vector_store %arg8[%swap3A, %swap3A_38], %add3A_37 {strides = array<i32>} : memref<2000x128xf32, #tpu.memory_space<vmem>>, vector<2000x128xf32>,
    %get3A_40 = arith.constant 0 : index
    %get3A_41 = arith.constant 0 : index
    %get3A_42 = vector.load %arg9[%get3A_40, %get3A_41] : memref<1x128xf32, #tpu.memory_space<vmem>>, vector<1x128xf32>
    %reduce_sum3A = arith.constant dense<0.000000e+00> : vector<128xf32>
    %reduce_sum3A_43 = vector.multi_reduction <add>, %add3A_37, %reduce_sum3A [0] : vector<2000x128xf32> to vector<128xf32>
    %broadcast_in_dim3A = vector.shape_cast %reduce_sum3A_43 : vector<128xf32> to vector<1x128xf32>
    %add3A_44 = arith.addf %get3A_42, %broadcast_in_dim3A : vector<1x128xf32>
    %swap3A_45 = arith.constant 0 : index
    %swap3A_46 = arith.constant 0 : index
    %swap3A_47 = vector.load %arg9[%swap3A_45, %swap3A_46] : memref<1x128xf32, #tpu.memory_space<vmem>>, vector<1x128xf32>
    tpu.vector_store %arg9[%swap3A_45, %swap3A_46], %add3A_44 {strides = array<i32>} : memref<1x128xf32, #tpu.memory_space<vmem>>, vector<1x128xf32>,
    %eq3A_48 = arith.constant 4 : i32
    %eq3A_49 = arith.cmpi eq, %arg0, %eq3A_48 : i32
    %convert_element_type3A_50 = arith.extui %eq3A_49 : i1 to i32
    %cond3A_51 = arith.constant 0 : i32
    %cond3A_52 = arith.cmpi ne, %convert_element_type3A_50, %cond3A_51 : i32
    scf.if %cond3A_52 {
      %get3A_53 = arith.constant 0 : index
      %get3A_54 = arith.constant 0 : index
      %get3A_55 = vector.load %arg9[%get3A_53, %get3A_54] : memref<1x128xf32, #tpu.memory_space<vmem>>, vector<1x128xf32>
      %mul3A_56 = arith.constant 9.99999974E-5 : f32
      %mul3A_57 = vector.broadcast %mul3A_56 : f32 to vector<1x128xf32>
      %mul3A_58 = arith.mulf %get3A_55, %mul3A_57 : vector<1x128xf32>
      %get3A_59 = arith.constant 0 : index
      %get3A_60 = arith.constant 0 : index
      %get3A_61 = vector.load %arg5[%get3A_59, %get3A_60] : memref<128x128xf32, #tpu.memory_space<vmem>>, vector<128x128xf32>
      %dot_general3A = arith.constant dense<0.000000e+00> : vector<1x128xf32>
      %dot_general3A_62 = tpu.matmul %mul3A_58, %get3A_61, %dot_general3A {dimension_numbers = #tpu.dot_dimension_numbers<[1], [0], [0], [1], [0, 0, 1, 1], [], []>, transpose_lhs_hint = false} : vector<1x128xf32>, vector<128x128xf32>, vector<1x128xf32> -> vector<1x128xf32>
      %get3A_63 = arith.constant 0 : index
      %get3A_64 = arith.constant 0 : index
      %get3A_65 = vector.load %arg6[%get3A_63, %get3A_64] : memref<1x128xf32, #tpu.memory_space<vmem>>, vector<1x128xf32>
      %add3A_66 = arith.addf %dot_general3A_62, %get3A_65 : vector<1x128xf32>
      %swap3A_67 = arith.constant 0 : index
      %swap3A_68 = arith.constant 0 : index
      %swap3A_69 = vector.load %arg7[%swap3A_67, %swap3A_68] : memref<1x128xf32, #tpu.memory_space<vmem>>, vector<1x128xf32>
      tpu.vector_store %arg7[%swap3A_67, %swap3A_68], %add3A_66 {strides = array<i32>} : memref<1x128xf32, #tpu.memory_space<vmem>>, vector<1x128xf32>,
    } else {
    }
    return
  }
  func.func @transform_0(%arg0: i32) -> (i32, i32, i32) {
    %c0_i32 = arith.constant 0 : i32
    %c0_i32_0 = arith.constant 0 : i32
    %c0_i32_1 = arith.constant 0 : i32
    return %c0_i32, %arg0, %c0_i32_0 : i32, i32, i32
  }
  func.func @transform_1(%arg0: i32) -> (i32, i32) {
    %c0_i32 = arith.constant 0 : i32
    %c0_i32_0 = arith.constant 0 : i32
    return %arg0, %c0_i32 : i32, i32
  }
  func.func @transform_2(%arg0: i32) -> (i32, i32, i32) {
    %c0_i32 = arith.constant 0 : i32
    %c0_i32_0 = arith.constant 0 : i32
    %c0_i32_1 = arith.constant 0 : i32
    return %c0_i32, %arg0, %c0_i32_0 : i32, i32, i32
  }
  func.func @transform_3(%arg0: i32) -> (i32, i32) {
    %c0_i32 = arith.constant 0 : i32
    %c0_i32_0 = arith.constant 0 : i32
    %c0_i32_1 = arith.constant 0 : i32
    return %c0_i32, %c0_i32_0 : i32, i32
  }
  func.func @transform_4(%arg0: i32) -> (i32, i32) {
    %c0_i32 = arith.constant 0 : i32
    %c0_i32_0 = arith.constant 0 : i32
    %c0_i32_1 = arith.constant 0 : i32
    return %c0_i32, %c0_i32_0 : i32, i32
  }
  func.func @transform_5(%arg0: i32) -> (i32, i32) {
    %c0_i32 = arith.constant 0 : i32
    %c0_i32_0 = arith.constant 0 : i32
    %c0_i32_1 = arith.constant 0 : i32
    return %c0_i32, %c0_i32_0 : i32, i32
  }
  func.func @transform_6(%arg0: i32) -> (i32, i32) {
    %c0_i32 = arith.constant 0 : i32
    %c0_i32_0 = arith.constant 0 : i32
    %c0_i32_1 = arith.constant 0 : i32
    return %c0_i32, %c0_i32_0 : i32, i32
  }
  func.func @transform_7(%arg0: i32) -> (i32, i32) {
    %c0_i32 = arith.constant 0 : i32
    %c0_i32_0 = arith.constant 0 : i32
    return %arg0, %c0_i32 : i32, i32
  }
}

</mosaic_0001>

<sc_bundles>
// kernel: kernel.11.cloned.1.call-start
scs
__scs_entry_jumppad:
0x0: {  	(pc) =	sbr.rel $0x88, $3  }
0x1: {  	(tag) =	ssettag $0x0;
	lr =	simm.s32 $0x1  }
0x2: {  	[smem:$0x3F99] =	sst lr;
	_ =	strace $0xD0000000  }
0x3: {  	_ = 	snop  }
0x4: {  	_ = 	snop  }
0x5: {  	_ = 	snop  }
0x6: {  	_ = 	snop  }
0x7: {  	_ = 	snop  }
__scs_overlays_trampoline_lowered:
0x8: {  	[smem:$0x3FA8] =	sst s0  }
0x9: {  	[smem:$0x3FA9] =	sst s1  }
0xa: {  	[smem:$0x3FAA] =	sst s2  }
0xb: {  	[smem:$0x3FAB] =	sst s3  }
0xc: {  	[smem:$0x3FAC] =	sst s4  }
0xd: {  	[smem:$0x3FAD] =	sst s5  }
0xe: {  	[smem:$0x3FAE] =	sst s6  }
0xf: {  	[smem:$0x3FAF] =	sst s7  }
0x10: {  	[smem:$0x3FB0] =	sst s8  }
0x11: {  	[smem:$0x3FB1] =	sst s9;
	s0 =	simm.s32 @!p0 $0x0  }
0x12: {  	s1 =	sld [smem:$0x3F97];
	s0 =	simm.s32 @p0 $0x1  }
0x13: {  	[smem:$0x3FB2] =	sst s0;
	s0 =	simm.s32 @!p1 $0x0  }
0x14: {  	s2 =	sld [smem:$0x3F96];
	s0 =	simm.s32 @p1 $0x1  }
0x15: {  	[smem:$0x3FB3] =	sst s0;
	s0 =	simm.s32 @!p2 $0x0  }
0x16: {  	s3 =	sld [smem:$0x3FDB];
	s0 =	simm.s32 @p2 $0x1  }
0x17: {  	s4 =	simm.s32 $0x1BF5;
	[smem:$0x3FB5] =	sst s0  }
0x18: {  	s0 =	sld [smem:$0x3F98];
	_ =	swait.ge [sflag:s4], $0x0  }
0x19: {  	s7 =	sld [smem:$0x3F99]  }
0x1a: {  	s8 =	sadd.s32 $0xFFFFE003, lr  }
0x1b: {  	s9 =	sadd.s32 $0xFFFFFEF7, lr;
	s5 =	simm.s32 $0xFFFFFFFF;
	p2 =	slt.u32 s8, $0xFFFFF086  }
0x1c: {  	p1 =	slt.u32 s9, $0xF7A;
	s5 =	simm.s32 @!p2 $0x0  }
0x1d: {  	s5 =	simm.s32 @p1 $0x1;
	p0 =	seq.s32 s7, s2  }
0x1e: {  	s7 =	smul.u32 @!p0 $0xF7A, s2;
	p2 =	seq.s32 @!p0 s5, $0x0  }
0x1f: {  	s9 =	smul.u32 $0xF7A, s1;
	s8 =	simm.s32 @!p0 $0x1BF5;
	p2 =	por !p2, p0  }
0x20: {  	[sflag:s8] =	ssyncset.s32 @!p0 $0xFFFFF086;
	s6 =	sadd.s32 @!p0 s3, s7;
	s7 =	simm.s32 @!p0 $0x108  }
0x21: {  	s3 =	sadd.s32 s3, s9;
	s6 =	sadd.s32 @!p0 $0x88, s6;
	s7 =	simm.s32 @p2 $0x1082  }
0x22: {  	[simem:s7], [sflag:s8] =	dma.local @!p0 [hbm:s6], $0xF7A  }
0x23: {  	s9 =	sor.u32 $0xD0000000, s2;
	s6 =	simm.s32 $0x108;
	_ =	swait.ge @!p0 [sflag:s8], $0x0  }
0x24: {  	s3 =	sadd.s32 $0x88, s3;
	s6 =	simm.s32 @!p1 $0x1082;
	[sflag:s4] =	ssyncset.s32 $0xFFFFF086  }
0x25: {  	[simem:s6], [sflag:s4] =	dma.local [hbm:s3], $0xF7A  }
0x26: {  	[smem:$0x3F99] =	sst s1;
	(tag) =	ssettag s2;
	_ =	strace s9  }
0x27: {  	s1 =	sld [smem:$0x3FA9]  }
0x28: {  	s2 =	sld [smem:$0x3FAA]  }
0x29: {  	s4 =	sld [smem:$0x3FAC]  }
0x2a: {  	p0 =	seq.s32 s5, $0x0;
	s5 =	sld [smem:$0x3FAD]  }
0x2b: {  	s6 =	sld [smem:$0x3FAE]  }
0x2c: {  	s7 =	sld [smem:$0x3FAF]  }
0x2d: {  	s3 =	simm.s32 $0x108;
	s8 =	sld [smem:$0x3FB0]  }
0x2e: {  	s3 =	simm.s32 @!p0 $0x1082;
	s9 =	sld [smem:$0x3FB1]  }
0x2f: {  	lr =	sadd.s32 s0, s3;
	s0 =	sld [smem:$0x3FA8]  }
0x30: {  	s3 =	sld [smem:$0x3FAB]  }
0x31: {  	[smem:$0x3FB4] =	sst s10  }
0x32: {  	s10 =	sld [smem:$0x3FB2];
	_ =	sdelay $0x3  }
0x33: {  	p0 =	seq.s32 s10, $0x1;
	s10 =	sld [smem:$0x3FB4];
	_ =	sdelay $0x3  }
0x34: {  	[smem:$0x3FB4] =	sst s10  }
0x35: {  	s10 =	sld [smem:$0x3FB3];
	_ =	sdelay $0x3  }
0x36: {  	p1 =	seq.s32 s10, $0x1;
	s10 =	sld [smem:$0x3FB4];
	_ =	sdelay $0x3  }
0x37: {  	[smem:$0x3FB4] =	sst s10  }
0x38: {  	s10 =	sld [smem:$0x3FB5]  }
0x39: {  	_ = 	snop;
	(pc) =	sbr.ind lr, $3  }
0x3a: {  	_ = 	snop  }
0x3b: {  	_ = 	snop  }
0x3c: {  	p2 =	seq.s32 s10, $0x1;
	s10 =	sld [smem:$0x3FB4]  }
0x3d: {  	_ =	shalt  }
0x3e: {  	_ =	shalt  }
0x3f: {  	_ =	shalt  }
0x40: {  	_ =	shalt  }
0x41: {  	_ =	shalt  }
0x42: {  	_ =	shalt  }
0x43: {  	_ =	shalt  }
0x44: {  	_ =	shalt  }
0x45: {  	_ =	shalt  }
0x46: {  	_ =	shalt  }
0x47: {  	_ =	shalt  }
0x48: {  	_ =	shalt  }
0x49: {  	_ =	shalt  }
0x4a: {  	_ =	shalt  }
0x4b: {  	_ =	shalt  }
0x4c: {  	_ =	shalt  }
0x4d: {  	_ =	shalt  }
0x4e: {  	_ =	shalt  }
0x4f: {  	_ =	shalt  }
0x50: {  	_ =	shalt  }
0x51: {  	_ =	shalt  }
0x52: {  	_ =	shalt  }
0x53: {  	_ =	shalt  }
0x54: {  	_ =	shalt  }
0x55: {  	_ =	shalt  }
0x56: {  	_ =	shalt  }
0x57: {  	_ =	shalt  }
0x58: {  	_ =	shalt  }
0x59: {  	_ =	shalt  }
0x5a: {  	_ =	shalt  }
0x5b: {  	_ =	shalt  }
0x5c: {  	_ =	shalt  }
0x5d: {  	_ =	shalt  }
0x5e: {  	_ =	shalt  }
0x5f: {  	_ =	shalt  }
0x60: {  	_ =	shalt  }
0x61: {  	_ =	shalt  }
0x62: {  	_ =	shalt  }
0x63: {  	_ =	shalt  }
0x64: {  	_ =	shalt  }
0x65: {  	_ =	shalt  }
0x66: {  	_ =	shalt  }
0x67: {  	_ =	shalt  }
0x68: {  	_ =	shalt  }
0x69: {  	_ =	shalt  }
0x6a: {  	_ =	shalt  }
0x6b: {  	_ =	shalt  }
0x6c: {  	_ =	shalt  }
0x6d: {  	_ =	shalt  }
0x6e: {  	_ =	shalt  }
0x6f: {  	_ =	shalt  }
0x70: {  	_ =	shalt  }
0x71: {  	_ =	shalt  }
0x72: {  	_ =	shalt  }
0x73: {  	_ =	shalt  }
0x74: {  	_ =	shalt  }
0x75: {  	_ =	shalt  }
0x76: {  	_ =	shalt  }
0x77: {  	_ =	shalt  }
0x78: {  	_ =	shalt  }
0x79: {  	_ =	shalt  }
0x7a: {  	_ =	shalt  }
0x7b: {  	_ =	shalt  }
0x7c: {  	_ =	shalt  }
0x7d: {  	_ =	shalt  }
0x7e: {  	_ =	shalt  }
0x7f: {  	_ =	shalt  }
0x80: {  	_ =	shalt  }
0x81: {  	_ =	shalt  }
0x82: {  	_ =	shalt  }
0x83: {  	_ =	shalt  }
0x84: {  	_ =	shalt  }
0x85: {  	_ =	shalt  }
0x86: {  	_ =	shalt  }
0x87: {  	_ =	shalt  }
.Lfunc_end0:
.L_simem_size_0:
called_computation.1_lowered:
.L_overlay_start_0:
0x88: {  	s2 =	sld [smem:$0x3FD9]  }
0x89: {  	s3 =	sld [smem:$0x3FFE];
	_ =	sdelay $0x1  }
0x8a: {  	s1 =	srdreg.scid  }
0x8b: {  	s0 =	sand.u32 $0x1, s1  }
0x8c: {  	s14 =	sshll.u32 s0, $0xA;
	s2 =	sadd.s32 s3, s2  }
0x8d: {  	s2 =	sadd.s32 s2, s14  }
0x8e: {  	[smem:$0x3FC0] =	sst s2  }
0x8f: {  	_ = 	snop  }
0x90: {  	s2 =	sld [smem:$0x3FD0];
	_ =	sdelay $0x2  }
0x91: {  	s15 =	simm.s32 $0xA;
	s4 =	simm.s32 $0x10  }
0x92: {  	[smem:s4], [sflag:s15] =	dma.local [hbm:s2], $0x1  }
0x93: {  	_ =	swait.eq [sflag:s15], $0x1  }
0x94: {  	[sflag:s15] =	ssyncset.done $0x0  }
0x95: {  	[sflag:s15] =	ssyncadd.s32 $0xFFFFFFFF  }
0x96: {  	s16 =	sld [smem:$0x11];
	(tm) =	ssettm $0x1  }
0x97: {  	s17 =	sld [smem:$0x3FFB];
	_ =	sdelay $0x3  }
0x98: {  	_ =	strace s17  }
0x99: {  	s3 =	sld [smem:$0x3FFC];
	_ =	sdelay $0x3  }
0x9a: {  	_ =	strace s3  }
0x9b: {  	s3 =	sld [smem:$0x3FFD];
	_ =	sdelay $0x3  }
0x9c: {  	_ =	strace s3  }
0x9d: {  	_ =	strace $0x8FFFFFFF  }
0x9e: {  	s18 =	sld [smem:$0x3FDB];
	_ =	sdelay $0x1  }
0x9f: {  	s19 =	simm.s32 $_scs_section_size  }
0xa0: {  	s5 =	simm.s32 $_size__tile_overlayer_lowered;
	s6 =	simm.s32 $_tile_overlayer_lowered  }
0xa1: {  	s22 =	simm.s32 $0x1BFF;
	s21 =	sshll.u32 s6, $0x1;
	s3 =	sadd.s32 s19, s18  }
0xa2: {  	s7 =	simm.s32 $0x0;
	s20 =	sshll.u32 s5, $0x1;
	s5 =	sadd.s32 s21, s3  }
0xa3: {  	[timem:s7], [sflag:s22] =	dma.local [hbm:s5], s20  }
0xa4: {  	_ =	swait.ge [sflag:s22], s20  }
0xa5: {  	s4 =	ssub.s32 $0x0, s20;
	[sflag:s22] =	ssyncset.done $0x0  }
0xa6: {  	[sflag:s22] =	ssyncadd.s32 s4;
	_ =	sdelay $0x1  }
0xa7: {  	s23 =	simm.s32 $0x1B8B  }
0xa8: {  	_ =	swait.ge [sflag:s23], $0x1  }
0xa9: {  	[sflag:s23] =	ssyncset.done $0x0  }
0xaa: {  	s25 =	simm.s32 $0x1B8E;
	s24 =	sld [smem:$0x3FFE];
	[sflag:s23] =	ssyncadd.s32 $0xFFFFFFFF  }
0xab: {  	s26 =	simm.s32 $execute0_lowered;
	[smem:$0x3FD2] =	sst s25  }
0xac: {  	s5 =	sshll.u32 s26, $0x1;
	_ =	strace $0x80000049;
	[dreg:$0x1] =	wrdreg $0xFFFFFFFF  }
0xad: {  	s28 =	simm.s32 $_size_execute0_lowered;
	s3 =	sadd.s32 s3, s5;
	[dreg:$0x0] =	wrdreg $0x0  }
0xae: {  	s5 =	sshll.u32 s28, $0x1;
	[dreg:$0x2] =	wrdreg s3  }
0xaf: {  	[dreg:$0x3] =	wrdreg s5  }
0xb0: {  	[dreg:$0x4] =	wrdreg $0xC0  }
0xb1: {  	_ =	task [dreg:s7], $0x5FFFF  }
0xb2: {  	[dreg:$0x1] =	wrdreg $0xFFFFFFFF  }
0xb3: {  	[dreg:$0x0] =	wrdreg $0x60  }
0xb4: {  	[dreg:$0x2] =	wrdreg s24  }
0xb5: {  	[dreg:$0x3] =	wrdreg s16  }
0xb6: {  	[dreg:$0x4] =	wrdreg $0x42000  }
0xb7: {  	[dreg:$0x5] =	wrdreg $0x9  }
0xb8: {  	_ =	task.clear_ibuf [dreg:s7], $0x6FFFF;
	_ =	strace $0x90000049  }
0xb9: {  	s29 =	simm.s32 $0x9;
	_ =	strace $0x8000004B  }
0xba: {  	_ =	swait.ge [sflag:s29], $0x1  }
0xbb: {  	[sflag:s29] =	ssyncadd.s32 $0xFFFFFFFF  }
0xbc: {  	_ =	strace $0x9000004B  }
0xbd: {  	_ =	sfence  }
0xbe: {  	s30 =	sld [smem:$0x0];
	_ =	sdelay $0x2  }
0xbf: {  	s31 =	sshll.u32 s1, $0xD;
	s1 =	sshrl.u32 s1, $0x2  }
0xc0: {  	s3 =	sand.u32 $0x4000, s31;
	s1 =	sadd.s32 s1, s30  }
0xc1: {  	s0 =	sor.u32 s3, s0;
	s1 =	sshll.u32 s1, $0x11  }
0xc2: {  	s0 =	sor.u32 s1, s0  }
0xc3: {  	s0 =	sadd.s32 $0x8F2B, s0  }
0xc4: {  	[sflag:s0] =	ssyncadd.remote.s32 $0x1  }
0xc5: {  	_ =	sfence.sel $0xFFFF  }
0xc6: {  	[dreg:$0x0] =	wrdreg $0xFFFFFFFF;
	(pc) =	sbr.abs _section_cstart, $3  }
0xc7: {  	[dreg:$0x1] =	wrdreg $0xFFFFFFFF  }
0xc8: {  	_ =	task.clear_ibuf [dreg:s7], $0x2FFFF;
	_ =	strace $0x9FFFFFFF  }
0xc9: {  	(tm) =	ssettm $0x7FFFFFFF  }
tec
execute0_lowered:
.L_overlay_start_1:
0x0: {  	(tag) =	ssettag $0x1  }
0x1: {  	s5 =	rddreg [dreg:$0x0]  }
0x2: {  	s1 =	rddreg [dreg:$0x1]  }
0x3: {  	s2 =	rddreg [dreg:$0x2];
	s4 =	srdreg.scid  }
0x4: {  	s0 =	rddreg [dreg:$0x3];
	s6 =	sand.u32 $0x1, s4  }
0x5: {  	s3 =	simm.s32 $0x0;
	s4 =	stileid.u32;
	s7 =	smul.u32 $0x9E00, s6  }
0x6: {  	s28 =	simm.s32 $0x2;
	s29 =	simm.s32 $0x0;
	s8 =	smul.u32 $0x50000, s4  }
0x7: {  	[smem:$0x7FF] =	sst s3;
	s19 =	sadd.s32 $0x66000, s5;
	s16 =	smul.u32 $0x140000, s6  }
0x8: {  	_ =	strace $0x8000004A;
	s24 =	ssub.s32 $0x2, s6;
	s17 =	smul.u32 $0x14000, s4  }
0x9: {  	s23 =	smul.u32 $0x9E0, s4;
	s25 =	sshrl.u32 s24, $0x1;
	s20 =	sadd.s32 s7, s5  }
0xa: {  	s8 =	sshrl.u32 s8, $0x2;
	s26 =	ssub.s32 s24, s25;
	s11 =	sadd.s32 s16, s17  }
0xb: {  	s12 =	sadd.s32 $0x4000, s17;
	s14 =	sadd.s32 $0x8000, s17;
	s18 =	sadd.s32 $0xC000, s17  }
0xc: {  	s22 =	sadd.s32 $0x10000, s17;
	s24 =	simm.s32 $0x100;
	s25 =	simm.s32 $0x1  }
0xd: {  	s5 =	sadd.s32 s8, s2;
	s6 =	smax.u32 s26, $0x1;
	s11 =	sshrl.u32 s11, $0x3  }
0xe: {  	s13 =	sadd.s32 s16, s12;
	s12 =	sadd.s32 s12, s2;
	s15 =	sadd.s32 s16, s14  }
0xf: {  	s14 =	sadd.s32 s14, s2;
	s21 =	sadd.s32 s16, s18;
	s31 =	sadd.s32 s16, s22  }
0x10: {  	s16 =	sadd.s32 s18, s2;
	s18 =	sadd.s32 s22, s2;
	s20 =	sadd.s32 s23, s20  }
0x11: {  	s22 =	simm.s32 $0x3;
	s23 =	simm.s32 $0x80;
	s26 =	simm.s32 $0x180  }
0x12: {  	s7 =	sadd.s32 $0x4000, s5;
	s8 =	sadd.s32 $0x8000, s5;
	s9 =	sadd.s32 $0xC000, s5  }
0x13: {  	s10 =	sadd.s32 $0x10000, s5;
	s11 =	sadd.s32 s19, s11;
	s13 =	sshrl.u32 s13, $0x3  }
0x14: {  	s15 =	sshrl.u32 s15, $0x3;
	s30 =	sshrl.u32 s21, $0x3;
	s21 =	sshrl.u32 s31, $0x3  }
0x15: {  	s20 =	sadd.s32 $0x52400, s20;
	s13 =	sadd.s32 s19, s13;
	s15 =	sadd.s32 s19, s15  }
0x16: {  	v0 =	vimm.f32 $0.0e+00;
	s17 =	sadd.s32 s19, s30;
	s19 =	sadd.s32 s19, s21;
	s21 =	simm.s32 $0x200  }
.LBB2_1:
0x17: {  	s30 =	simm.s32 $0x0;
	s31 =	simm.s32 $0x200  }
.LBB2_2:
0x18: {  	p0 =	sne.s32 s31, $0xFE00;
	[tilespmem:s30+$0x270] =	vst v0  }
0x19: {  	[tilespmem:s30+$0x200] =	vst v0  }
0x1a: {  	[tilespmem:s30+$0x210] =	vst v0  }
.Ltmp0:
0x1b: {  	[tilespmem:s30+$0x220] =	vst v0;
	(pc) =	sbr.rel @p0 .LBB2_2-.Ltmp0, $4  }
0x1c: {  	[tilespmem:s30+$0x230] =	vst v0  }
0x1d: {  	[tilespmem:s30+$0x240] =	vst v0  }
0x1e: {  	[tilespmem:s30+$0x250] =	vst v0  }
0x1f: {  	[tilespmem:s30+$0x260] =	vst v0;
	s30 =	sshra.s32 s31, $0x2;
	s31 =	sadd.s32 $0x200, s31  }
0x20: {  	[tilespmem:s30+$0x270] =	vst v0  }
0x21: {  	[tilespmem:s30+$0x200] =	vst v0  }
0x22: {  	[tilespmem:s30+$0x210] =	vst v0  }
0x23: {  	[tilespmem:s30+$0x220] =	vst v0  }
0x24: {  	[tilespmem:s30+$0x230] =	vst v0  }
0x25: {  	[tilespmem:s30+$0x240] =	vst v0  }
0x26: {  	[tilespmem:s30+$0x250] =	vst v0  }
0x27: {  	[tilespmem:s30+$0x260] =	vst v0  }
0x28: {  	[spmem:s5] =	stream.linear.scatter [tilespmem:s21], [sflag:$0x3], $0x4000, $0x38;
	[tilespmem:$0x18200] =	vst v63  }
0x29: {  	_ =	swait.ge [sflag:s22], $0x4000  }
0x2a: {  	[sflag:s22] =	ssyncset.done $0x0  }
0x2b: {  	[sflag:s22] =	ssyncadd.s32 $0xFFFFC000  }
0x2c: {  	[spmem:s7] =	stream.linear.scatter [tilespmem:s21], [sflag:$0x3], $0x4000, $0x38;
	[tilespmem:$0x18200] =	vst v63  }
0x2d: {  	_ =	swait.ge [sflag:s22], $0x4000  }
0x2e: {  	[sflag:s22] =	ssyncset.done $0x0  }
0x2f: {  	[sflag:s22] =	ssyncadd.s32 $0xFFFFC000  }
0x30: {  	[spmem:s8] =	stream.linear.scatter [tilespmem:s21], [sflag:$0x3], $0x4000, $0x38;
	[tilespmem:$0x18200] =	vst v63  }
0x31: {  	_ =	swait.ge [sflag:s22], $0x4000  }
0x32: {  	[sflag:s22] =	ssyncset.done $0x0  }
0x33: {  	[sflag:s22] =	ssyncadd.s32 $0xFFFFC000  }
0x34: {  	[spmem:s9] =	stream.linear.scatter [tilespmem:s21], [sflag:$0x3], $0x4000, $0x38;
	[tilespmem:$0x18200] =	vst v63  }
0x35: {  	_ =	swait.ge [sflag:s22], $0x4000  }
0x36: {  	[sflag:s22] =	ssyncset.done $0x0  }
0x37: {  	[sflag:s22] =	ssyncadd.s32 $0xFFFFC000  }
0x38: {  	[spmem:s10] =	stream.linear.scatter [tilespmem:s21], [sflag:$0x3], $0x4000, $0x38;
	[tilespmem:$0x18200] =	vst v63  }
0x39: {  	_ =	swait.ge [sflag:s22], $0x4000  }
0x3a: {  	[sflag:s22] =	ssyncset.done $0x0  }
0x3b: {  	[sflag:s22] =	ssyncadd.s32 $0xFFFFC000  }
0x3c: {  	s30 =	sadd.s32 $0x0, s20;
	[bflag:$0x0] =	sbarrier.arrive $0xFFFF  }
0x3d: {  	[tilespmem:s3], [sflag:$0x3] =	stream.linear.gather [hbm4b:s30+s3], $0x100, $0x38;
	[tilespmem:$0x18200] =	vst v63  }
0x3e: {  	_ =	swait.ge [sflag:s22], $0x100  }
0x3f: {  	[sflag:s22] =	ssyncset.done $0x0  }
0x40: {  	[sflag:s22] =	ssyncadd.s32 $0xFFFFFF00  }
0x41: {  	v1 =	vld [tilespmem:$0xF0]  }
0x42: {  	v2 =	vld [tilespmem:$0xE0]  }
0x43: {  	v3 =	vld [tilespmem:$0x70]  }
0x44: {  	v4 =	vld [tilespmem:$0xD0]  }
0x45: {  	v5 =	vld [tilespmem:$0x60]  }
0x46: {  	v6 =	vld [tilespmem:$0xC0];
	[tilespmem:$0x1F0] =	vst v1  }
0x47: {  	v7 =	vld [tilespmem:$0x50];
	[tilespmem:$0x1E0] =	vst v2  }
0x48: {  	v8 =	vld [tilespmem:$0xB0];
	[tilespmem:$0x170] =	vst v3  }
0x49: {  	v3 =	vld [tilespmem:$0x40];
	[tilespmem:$0x1D0] =	vst v4  }
0x4a: {  	v1 =	vld [tilespmem:$0x30];
	[tilespmem:$0x160] =	vst v5  }
0x4b: {  	v2 =	vld [tilespmem:$0xA0];
	[tilespmem:$0x1C0] =	vst v6  }
0x4c: {  	v4 =	vld [tilespmem:$0x90];
	[tilespmem:$0x150] =	vst v7  }
0x4d: {  	s30 =	simm.s32 $0x20;
	v5 =	vld [tilespmem:$0x20];
	[tilespmem:$0x1B0] =	vst v8  }
.LBB2_4:
0x4e: {  	p0 =	sne.s32 s30, $0x9C0;
	v6 =	vld [tilespmem:$0x0];
	[tilespmem:$0x140] =	vst v3;
	s31 =	smov.u32 s30;
	s30 =	sadd.s32 $0x20, s30  }
0x4f: {  	v3 =	vld [tilespmem:$0x10];
	[tilespmem:$0x130] =	vst v1  }
0x50: {  	v1 =	vld [tilespmem:$0x80];
	[tilespmem:$0x1A0] =	vst v2  }
0x51: {  	[tilespmem:$0x190] =	vst v4  }
0x52: {  	[tilespmem:$0x120] =	vst v5  }
0x53: {  	[tilespmem:$0x100] =	vst v6  }
0x54: {  	[tilespmem:$0x110] =	vst v3  }
0x55: {  	[tilespmem:$0x180] =	vst v1  }
0x56: {  	[tilespmem:s21], [sflag:$0x1] =	stream.indirect.gather [hbm4b:s1+s23], $0x80, s24, s23, $0xb8;
	[tilespmem:$0x18200] =	vst v63  }
0x57: {  	_ =	swait.ge [sflag:s25], $0x4000  }
0x58: {  	[sflag:s25] =	ssyncset.done $0x0  }
0x59: {  	[sflag:s25] =	ssyncadd.s32 $0xFFFFC000  }
0x5a: {  	[spmem:s2] =	stream.indirect.scatter.add.f32 [tilespmem:s21], [sflag:$0x2], $0x80, s26, s23, $0xb8;
	[tilespmem:$0x18200] =	vst v63  }
0x5b: {  	_ =	swait.ge [sflag:s28], $0x4000  }
0x5c: {  	[sflag:s28] =	ssyncset.done $0x0  }
0x5d: {  	s31 =	sadd.s32 s31, s20;
	[sflag:s28] =	ssyncadd.s32 $0xFFFFC000  }
0x5e: {  	[tilespmem:s3], [sflag:$0x3] =	stream.linear.gather [hbm4b:s31+s3], $0x100, $0x38;
	[tilespmem:$0x18200] =	vst v63  }
0x5f: {  	_ =	swait.ge [sflag:s22], $0x100  }
0x60: {  	[sflag:s22] =	ssyncset.done $0x0  }
0x61: {  	[sflag:s22] =	ssyncadd.s32 $0xFFFFFF00  }
0x62: {  	v1 =	vld [tilespmem:$0xF0]  }
0x63: {  	v2 =	vld [tilespmem:$0xE0]  }
0x64: {  	v3 =	vld [tilespmem:$0x70]  }
0x65: {  	v4 =	vld [tilespmem:$0xD0]  }
0x66: {  	v5 =	vld [tilespmem:$0x60]  }
0x67: {  	v6 =	vld [tilespmem:$0xC0];
	[tilespmem:$0x1F0] =	vst v1  }
0x68: {  	v7 =	vld [tilespmem:$0x50];
	[tilespmem:$0x1E0] =	vst v2  }
0x69: {  	v8 =	vld [tilespmem:$0xB0];
	[tilespmem:$0x170] =	vst v3  }
.Ltmp1:
0x6a: {  	v3 =	vld [tilespmem:$0x40];
	[tilespmem:$0x1D0] =	vst v4;
	(pc) =	sbr.rel @p0 .LBB2_4-.Ltmp1, $4  }
0x6b: {  	v1 =	vld [tilespmem:$0x30];
	[tilespmem:$0x160] =	vst v5  }
0x6c: {  	v2 =	vld [tilespmem:$0xA0];
	[tilespmem:$0x1C0] =	vst v6  }
0x6d: {  	v4 =	vld [tilespmem:$0x90];
	[tilespmem:$0x150] =	vst v7  }
0x6e: {  	v5 =	vld [tilespmem:$0x20];
	[tilespmem:$0x1B0] =	vst v8  }
0x6f: {  	v6 =	vld [tilespmem:$0x0];
	[tilespmem:$0x140] =	vst v3  }
0x70: {  	v3 =	vld [tilespmem:$0x10];
	[tilespmem:$0x130] =	vst v1  }
0x71: {  	v1 =	vld [tilespmem:$0x80];
	[tilespmem:$0x1A0] =	vst v2  }
0x72: {  	[tilespmem:$0x190] =	vst v4  }
0x73: {  	[tilespmem:$0x120] =	vst v5  }
0x74: {  	[tilespmem:$0x100] =	vst v6  }
0x75: {  	[tilespmem:$0x110] =	vst v3  }
0x76: {  	[tilespmem:$0x180] =	vst v1  }
0x77: {  	[tilespmem:s21], [sflag:$0x1] =	stream.indirect.gather [hbm4b:s1+s23], $0x80, s24, s23, $0xb8;
	[tilespmem:$0x18200] =	vst v63  }
0x78: {  	_ =	swait.ge [sflag:s25], $0x4000  }
0x79: {  	[sflag:s25] =	ssyncset.done $0x0  }
0x7a: {  	[sflag:s25] =	ssyncadd.s32 $0xFFFFC000  }
0x7b: {  	[spmem:s2] =	stream.indirect.scatter.add.f32 [tilespmem:s21], [sflag:$0x2], $0x80, s26, s23, $0xb8;
	[tilespmem:$0x18200] =	vst v63  }
0x7c: {  	_ =	swait.ge [sflag:s28], $0x4000  }
0x7d: {  	[sflag:s28] =	ssyncset.done $0x0  }
0x7e: {  	[sflag:s28] =	ssyncadd.s32 $0xFFFFC000  }
0x7f: {  	[bflag:$0x0] =	sbarrier.arrive $0xFFFF  }
0x80: {  	[tilespmem:s21], [sflag:$0x3] =	stream.linear.gather [spmem:s5], $0x4000, $0x38;
	[tilespmem:$0x18200] =	vst v63  }
0x81: {  	_ =	swait.ge [sflag:s22], $0x4000  }
0x82: {  	[sflag:s22] =	ssyncset.done $0x0  }
0x83: {  	[sflag:s22] =	ssyncadd.s32 $0xFFFFC000  }
0x84: {  	[hbm4b:s11+s3] =	stream.linear.scatter [tilespmem:s21], [sflag:$0x3], $0x4000, $0x38;
	[tilespmem:$0x18200] =	vst v63  }
0x85: {  	_ =	swait.ge [sflag:s22], $0x4000  }
0x86: {  	[sflag:s22] =	ssyncset.done $0x0  }
0x87: {  	[sflag:s22] =	ssyncadd.s32 $0xFFFFC000  }
0x88: {  	[tilespmem:s21], [sflag:$0x3] =	stream.linear.gather [spmem:s12], $0x4000, $0x38;
	[tilespmem:$0x18200] =	vst v63  }
0x89: {  	_ =	swait.ge [sflag:s22], $0x4000  }
0x8a: {  	[sflag:s22] =	ssyncset.done $0x0  }
0x8b: {  	[sflag:s22] =	ssyncadd.s32 $0xFFFFC000  }
0x8c: {  	[hbm4b:s13+s3] =	stream.linear.scatter [tilespmem:s21], [sflag:$0x3], $0x4000, $0x38;
	[tilespmem:$0x18200] =	vst v63  }
0x8d: {  	_ =	swait.ge [sflag:s22], $0x4000  }
0x8e: {  	[sflag:s22] =	ssyncset.done $0x0  }
0x8f: {  	[sflag:s22] =	ssyncadd.s32 $0xFFFFC000  }
0x90: {  	[tilespmem:s21], [sflag:$0x3] =	stream.linear.gather [spmem:s14], $0x4000, $0x38;
	[tilespmem:$0x18200] =	vst v63  }
0x91: {  	_ =	swait.ge [sflag:s22], $0x4000  }
0x92: {  	[sflag:s22] =	ssyncset.done $0x0  }
0x93: {  	[sflag:s22] =	ssyncadd.s32 $0xFFFFC000  }
0x94: {  	[hbm4b:s15+s3] =	stream.linear.scatter [tilespmem:s21], [sflag:$0x3], $0x4000, $0x38;
	[tilespmem:$0x18200] =	vst v63  }
0x95: {  	_ =	swait.ge [sflag:s22], $0x4000  }
0x96: {  	[sflag:s22] =	ssyncset.done $0x0  }
0x97: {  	[sflag:s22] =	ssyncadd.s32 $0xFFFFC000  }
0x98: {  	[tilespmem:s21], [sflag:$0x3] =	stream.linear.gather [spmem:s16], $0x4000, $0x38;
	[tilespmem:$0x18200] =	vst v63  }
0x99: {  	_ =	swait.ge [sflag:s22], $0x4000  }
0x9a: {  	[sflag:s22] =	ssyncset.done $0x0  }
0x9b: {  	[sflag:s22] =	ssyncadd.s32 $0xFFFFC000  }
0x9c: {  	[hbm4b:s17+s3] =	stream.linear.scatter [tilespmem:s21], [sflag:$0x3], $0x4000, $0x38;
	[tilespmem:$0x18200] =	vst v63  }
0x9d: {  	_ =	swait.ge [sflag:s22], $0x4000  }
0x9e: {  	[sflag:s22] =	ssyncset.done $0x0  }
0x9f: {  	[sflag:s22] =	ssyncadd.s32 $0xFFFFC000  }
0xa0: {  	[tilespmem:s21], [sflag:$0x3] =	stream.linear.gather [spmem:s18], $0x4000, $0x38;
	[tilespmem:$0x18200] =	vst v63  }
0xa1: {  	s29 =	sadd.s32 $0x1, s29;
	_ =	swait.ge [sflag:s22], $0x4000  }
0xa2: {  	p0 =	sne.s32 s29, s6;
	[sflag:s22] =	ssyncset.done $0x0  }
.Ltmp2:
0xa3: {  	[sflag:s22] =	ssyncadd.s32 $0xFFFFC000;
	(pc) =	sbr.rel @p0 .LBB2_1-.Ltmp2, $4  }
0xa4: {  	[hbm4b:s19+s3] =	stream.linear.scatter [tilespmem:s21], [sflag:$0x3], $0x4000, $0x38;
	[tilespmem:$0x18200] =	vst v63  }
0xa5: {  	_ =	swait.ge [sflag:s22], $0x4000  }
0xa6: {  	[sflag:s22] =	ssyncset.done $0x0  }
0xa7: {  	[sflag:s22] =	ssyncadd.s32 $0xFFFFC000  }
0xa8: {  	_ =	sfence.sel $0x180000  }
0xa9: {  	[bflag:$0x0] =	sbarrier.arrive $0xFFFF  }
0xaa: {  	p0 =	sne.s32 s4, $0x0;
	_ =	strace $0x9000004A  }
0xab: {  	s0 =	sadd.s32 @!p0 $0x100000, s0;
	[bflag:$0x2] =	sbarrier.arrive $0xFFFF  }
0xac: {  	[sflag:s0] =	ssyncadd.tile.s32 @!p0 $0x1;
	_ =	shalt  }
.Lfunc_end2:
_tile_overlayer_lowered:
.L_overlay_start_2:
0xad: {  	(tag) =	ssettag $0x2  }
0xae: {  	s0 =	rddreg [dreg:$0x0];
	s2 =	stileid.u32  }
0xaf: {  	s1 =	rddreg [dreg:$0x1];
	p0 =	sne.s32 s2, $0x0  }
0xb0: {  	s3 =	rddreg [dreg:$0x2];
	[bflag:$0x3] =	sbarrier.arrive $0xFFFF;
	s2 =	simm.s32 @!p0 $0x1C03  }
0xb1: {  	[timem:s3], [sflag:s2] =	dma.local @!p0 [hbm:s0], s1  }
0xb2: {  	s0 =	simm.s32 @!p0 $0x3  }
0xb3: {  	_ =	swait.ge @!p0 [sflag:s0], s1  }
0xb4: {  	s1 =	ssub.s32 @!p0 $0x0, s1;
	[sflag:s0] =	ssyncset.done @!p0 $0x0  }
0xb5: {  	[sflag:s0] =	ssyncadd.s32 @!p0 s1  }
0xb6: {  	[bflag:$0x3] =	sbarrier.arrive $0xFFFF  }
0xb7: {  	_ =	shalt  }

// kernel: kernel.14.cloned.1.call-start
scs
__scs_entry_jumppad:
0x0: {  	(pc) =	sbr.rel $0x88, $3  }
0x1: {  	(tag) =	ssettag $0x0;
	lr =	simm.s32 $0x1  }
0x2: {  	[smem:$0x3F99] =	sst lr;
	_ =	strace $0xD0000000  }
0x3: {  	_ = 	snop  }
0x4: {  	_ = 	snop  }
0x5: {  	_ = 	snop  }
0x6: {  	_ = 	snop  }
0x7: {  	_ = 	snop  }
__scs_overlays_trampoline_lowered:
0x8: {  	[smem:$0x3FA8] =	sst s0  }
0x9: {  	[smem:$0x3FA9] =	sst s1  }
0xa: {  	[smem:$0x3FAA] =	sst s2  }
0xb: {  	[smem:$0x3FAB] =	sst s3  }
0xc: {  	[smem:$0x3FAC] =	sst s4  }
0xd: {  	[smem:$0x3FAD] =	sst s5  }
0xe: {  	[smem:$0x3FAE] =	sst s6  }
0xf: {  	[smem:$0x3FAF] =	sst s7  }
0x10: {  	[smem:$0x3FB0] =	sst s8  }
0x11: {  	[smem:$0x3FB1] =	sst s9;
	s0 =	simm.s32 @!p0 $0x0  }
0x12: {  	s1 =	sld [smem:$0x3F97];
	s0 =	simm.s32 @p0 $0x1  }
0x13: {  	[smem:$0x3FB2] =	sst s0;
	s0 =	simm.s32 @!p1 $0x0  }
0x14: {  	s2 =	sld [smem:$0x3F96];
	s0 =	simm.s32 @p1 $0x1  }
0x15: {  	[smem:$0x3FB3] =	sst s0;
	s0 =	simm.s32 @!p2 $0x0  }
0x16: {  	s3 =	sld [smem:$0x3FDB];
	s0 =	simm.s32 @p2 $0x1  }
0x17: {  	s4 =	simm.s32 $0x1BF5;
	[smem:$0x3FB5] =	sst s0  }
0x18: {  	s0 =	sld [smem:$0x3F98];
	_ =	swait.ge [sflag:s4], $0x0  }
0x19: {  	s7 =	sld [smem:$0x3F99]  }
0x1a: {  	s8 =	sadd.s32 $0xFFFFE003, lr  }
0x1b: {  	s9 =	sadd.s32 $0xFFFFFEF7, lr;
	s5 =	simm.s32 $0xFFFFFFFF;
	p2 =	slt.u32 s8, $0xFFFFF086  }
0x1c: {  	p1 =	slt.u32 s9, $0xF7A;
	s5 =	simm.s32 @!p2 $0x0  }
0x1d: {  	s5 =	simm.s32 @p1 $0x1;
	p0 =	seq.s32 s7, s2  }
0x1e: {  	s7 =	smul.u32 @!p0 $0xF7A, s2;
	p2 =	seq.s32 @!p0 s5, $0x0  }
0x1f: {  	s9 =	smul.u32 $0xF7A, s1;
	s8 =	simm.s32 @!p0 $0x1BF5;
	p2 =	por !p2, p0  }
0x20: {  	[sflag:s8] =	ssyncset.s32 @!p0 $0xFFFFF086;
	s6 =	sadd.s32 @!p0 s3, s7;
	s7 =	simm.s32 @!p0 $0x108  }
0x21: {  	s3 =	sadd.s32 s3, s9;
	s6 =	sadd.s32 @!p0 $0x88, s6;
	s7 =	simm.s32 @p2 $0x1082  }
0x22: {  	[simem:s7], [sflag:s8] =	dma.local @!p0 [hbm:s6], $0xF7A  }
0x23: {  	s9 =	sor.u32 $0xD0000000, s2;
	s6 =	simm.s32 $0x108;
	_ =	swait.ge @!p0 [sflag:s8], $0x0  }
0x24: {  	s3 =	sadd.s32 $0x88, s3;
	s6 =	simm.s32 @!p1 $0x1082;
	[sflag:s4] =	ssyncset.s32 $0xFFFFF086  }
0x25: {  	[simem:s6], [sflag:s4] =	dma.local [hbm:s3], $0xF7A  }
0x26: {  	[smem:$0x3F99] =	sst s1;
	(tag) =	ssettag s2;
	_ =	strace s9  }
0x27: {  	s1 =	sld [smem:$0x3FA9]  }
0x28: {  	s2 =	sld [smem:$0x3FAA]  }
0x29: {  	s4 =	sld [smem:$0x3FAC]  }
0x2a: {  	p0 =	seq.s32 s5, $0x0;
	s5 =	sld [smem:$0x3FAD]  }
0x2b: {  	s6 =	sld [smem:$0x3FAE]  }
0x2c: {  	s7 =	sld [smem:$0x3FAF]  }
0x2d: {  	s3 =	simm.s32 $0x108;
	s8 =	sld [smem:$0x3FB0]  }
0x2e: {  	s3 =	simm.s32 @!p0 $0x1082;
	s9 =	sld [smem:$0x3FB1]  }
0x2f: {  	lr =	sadd.s32 s0, s3;
	s0 =	sld [smem:$0x3FA8]  }
0x30: {  	s3 =	sld [smem:$0x3FAB]  }
0x31: {  	[smem:$0x3FB4] =	sst s10  }
0x32: {  	s10 =	sld [smem:$0x3FB2];
	_ =	sdelay $0x3  }
0x33: {  	p0 =	seq.s32 s10, $0x1;
	s10 =	sld [smem:$0x3FB4];
	_ =	sdelay $0x3  }
0x34: {  	[smem:$0x3FB4] =	sst s10  }
0x35: {  	s10 =	sld [smem:$0x3FB3];
	_ =	sdelay $0x3  }
0x36: {  	p1 =	seq.s32 s10, $0x1;
	s10 =	sld [smem:$0x3FB4];
	_ =	sdelay $0x3  }
0x37: {  	[smem:$0x3FB4] =	sst s10  }
0x38: {  	s10 =	sld [smem:$0x3FB5]  }
0x39: {  	_ = 	snop;
	(pc) =	sbr.ind lr, $3  }
0x3a: {  	_ = 	snop  }
0x3b: {  	_ = 	snop  }
0x3c: {  	p2 =	seq.s32 s10, $0x1;
	s10 =	sld [smem:$0x3FB4]  }
0x3d: {  	_ =	shalt  }
0x3e: {  	_ =	shalt  }
0x3f: {  	_ =	shalt  }
0x40: {  	_ =	shalt  }
0x41: {  	_ =	shalt  }
0x42: {  	_ =	shalt  }
0x43: {  	_ =	shalt  }
0x44: {  	_ =	shalt  }
0x45: {  	_ =	shalt  }
0x46: {  	_ =	shalt  }
0x47: {  	_ =	shalt  }
0x48: {  	_ =	shalt  }
0x49: {  	_ =	shalt  }
0x4a: {  	_ =	shalt  }
0x4b: {  	_ =	shalt  }
0x4c: {  	_ =	shalt  }
0x4d: {  	_ =	shalt  }
0x4e: {  	_ =	shalt  }
0x4f: {  	_ =	shalt  }
0x50: {  	_ =	shalt  }
0x51: {  	_ =	shalt  }
0x52: {  	_ =	shalt  }
0x53: {  	_ =	shalt  }
0x54: {  	_ =	shalt  }
0x55: {  	_ =	shalt  }
0x56: {  	_ =	shalt  }
0x57: {  	_ =	shalt  }
0x58: {  	_ =	shalt  }
0x59: {  	_ =	shalt  }
0x5a: {  	_ =	shalt  }
0x5b: {  	_ =	shalt  }
0x5c: {  	_ =	shalt  }
0x5d: {  	_ =	shalt  }
0x5e: {  	_ =	shalt  }
0x5f: {  	_ =	shalt  }
0x60: {  	_ =	shalt  }
0x61: {  	_ =	shalt  }
0x62: {  	_ =	shalt  }
0x63: {  	_ =	shalt  }
0x64: {  	_ =	shalt  }
0x65: {  	_ =	shalt  }
0x66: {  	_ =	shalt  }
0x67: {  	_ =	shalt  }
0x68: {  	_ =	shalt  }
0x69: {  	_ =	shalt  }
0x6a: {  	_ =	shalt  }
0x6b: {  	_ =	shalt  }
0x6c: {  	_ =	shalt  }
0x6d: {  	_ =	shalt  }
0x6e: {  	_ =	shalt  }
0x6f: {  	_ =	shalt  }
0x70: {  	_ =	shalt  }
0x71: {  	_ =	shalt  }
0x72: {  	_ =	shalt  }
0x73: {  	_ =	shalt  }
0x74: {  	_ =	shalt  }
0x75: {  	_ =	shalt  }
0x76: {  	_ =	shalt  }
0x77: {  	_ =	shalt  }
0x78: {  	_ =	shalt  }
0x79: {  	_ =	shalt  }
0x7a: {  	_ =	shalt  }
0x7b: {  	_ =	shalt  }
0x7c: {  	_ =	shalt  }
0x7d: {  	_ =	shalt  }
0x7e: {  	_ =	shalt  }
0x7f: {  	_ =	shalt  }
0x80: {  	_ =	shalt  }
0x81: {  	_ =	shalt  }
0x82: {  	_ =	shalt  }
0x83: {  	_ =	shalt  }
0x84: {  	_ =	shalt  }
0x85: {  	_ =	shalt  }
0x86: {  	_ =	shalt  }
0x87: {  	_ =	shalt  }
.Lfunc_end0:
.L_simem_size_0:
called_computation.2_lowered:
.L_overlay_start_0:
0x88: {  	s2 =	sld [smem:$0x3FD9]  }
0x89: {  	s3 =	sld [smem:$0x3FFE];
	_ =	sdelay $0x1  }
0x8a: {  	s1 =	srdreg.scid  }
0x8b: {  	s0 =	sand.u32 $0x1, s1  }
0x8c: {  	s14 =	sshll.u32 s0, $0xA;
	s2 =	sadd.s32 s3, s2  }
0x8d: {  	s2 =	sadd.s32 s2, s14  }
0x8e: {  	[smem:$0x3FC0] =	sst s2  }
0x8f: {  	_ = 	snop  }
0x90: {  	s2 =	sld [smem:$0x3FD0];
	_ =	sdelay $0x2  }
0x91: {  	s15 =	simm.s32 $0xA;
	s4 =	simm.s32 $0x10  }
0x92: {  	[smem:s4], [sflag:s15] =	dma.local [hbm:s2], $0x1  }
0x93: {  	_ =	swait.eq [sflag:s15], $0x1  }
0x94: {  	[sflag:s15] =	ssyncset.done $0x0  }
0x95: {  	[sflag:s15] =	ssyncadd.s32 $0xFFFFFFFF  }
0x96: {  	s16 =	sld [smem:$0x11];
	(tm) =	ssettm $0x1  }
0x97: {  	s17 =	sld [smem:$0x3FFB];
	_ =	sdelay $0x3  }
0x98: {  	_ =	strace s17  }
0x99: {  	s3 =	sld [smem:$0x3FFC];
	_ =	sdelay $0x3  }
0x9a: {  	_ =	strace s3  }
0x9b: {  	s3 =	sld [smem:$0x3FFD];
	_ =	sdelay $0x3  }
0x9c: {  	_ =	strace s3  }
0x9d: {  	_ =	strace $0x8FFFFFFF  }
0x9e: {  	s18 =	sld [smem:$0x3FDB];
	_ =	sdelay $0x1  }
0x9f: {  	s19 =	simm.s32 $_scs_section_size  }
0xa0: {  	s5 =	simm.s32 $_size__tile_overlayer_lowered;
	s6 =	simm.s32 $_tile_overlayer_lowered  }
0xa1: {  	s22 =	simm.s32 $0x1BFF;
	s21 =	sshll.u32 s6, $0x1;
	s3 =	sadd.s32 s19, s18  }
0xa2: {  	s7 =	simm.s32 $0x0;
	s20 =	sshll.u32 s5, $0x1;
	s5 =	sadd.s32 s21, s3  }
0xa3: {  	[timem:s7], [sflag:s22] =	dma.local [hbm:s5], s20  }
0xa4: {  	_ =	swait.ge [sflag:s22], s20  }
0xa5: {  	s4 =	ssub.s32 $0x0, s20;
	[sflag:s22] =	ssyncset.done $0x0  }
0xa6: {  	[sflag:s22] =	ssyncadd.s32 s4;
	_ =	sdelay $0x1  }
0xa7: {  	s23 =	simm.s32 $0x1B8B  }
0xa8: {  	_ =	swait.ge [sflag:s23], $0x1  }
0xa9: {  	[sflag:s23] =	ssyncset.done $0x0  }
0xaa: {  	s25 =	simm.s32 $0x1B8E;
	s24 =	sld [smem:$0x3FFE];
	[sflag:s23] =	ssyncadd.s32 $0xFFFFFFFF  }
0xab: {  	s26 =	simm.s32 $execute0_lowered;
	[smem:$0x3FD2] =	sst s25  }
0xac: {  	s5 =	sshll.u32 s26, $0x1;
	_ =	strace $0x8000004C;
	[dreg:$0x1] =	wrdreg $0xFFFFFFFF  }
0xad: {  	s28 =	simm.s32 $_size_execute0_lowered;
	s3 =	sadd.s32 s3, s5;
	[dreg:$0x0] =	wrdreg $0x0  }
0xae: {  	s5 =	sshll.u32 s28, $0x1;
	[dreg:$0x2] =	wrdreg s3  }
0xaf: {  	[dreg:$0x3] =	wrdreg s5  }
0xb0: {  	[dreg:$0x4] =	wrdreg $0xC0  }
0xb1: {  	_ =	task [dreg:s7], $0x5FFFF  }
0xb2: {  	[dreg:$0x1] =	wrdreg $0xFFFFFFFF  }
0xb3: {  	[dreg:$0x0] =	wrdreg $0x60  }
0xb4: {  	[dreg:$0x2] =	wrdreg s24  }
0xb5: {  	[dreg:$0x3] =	wrdreg s16  }
0xb6: {  	[dreg:$0x4] =	wrdreg $0x42000  }
0xb7: {  	[dreg:$0x5] =	wrdreg $0x9  }
0xb8: {  	_ =	task.clear_ibuf [dreg:s7], $0x6FFFF;
	_ =	strace $0x9000004C  }
0xb9: {  	s29 =	simm.s32 $0x9;
	_ =	strace $0x8000004E  }
0xba: {  	_ =	swait.ge [sflag:s29], $0x1  }
0xbb: {  	[sflag:s29] =	ssyncadd.s32 $0xFFFFFFFF  }
0xbc: {  	_ =	strace $0x9000004E  }
0xbd: {  	_ =	sfence  }
0xbe: {  	s30 =	sld [smem:$0x0];
	_ =	sdelay $0x2  }
0xbf: {  	s31 =	sshll.u32 s1, $0xD;
	s1 =	sshrl.u32 s1, $0x2  }
0xc0: {  	s3 =	sand.u32 $0x4000, s31;
	s1 =	sadd.s32 s1, s30  }
0xc1: {  	s0 =	sor.u32 s3, s0;
	s1 =	sshll.u32 s1, $0x11  }
0xc2: {  	s0 =	sor.u32 s1, s0  }
0xc3: {  	s0 =	sadd.s32 $0x8F2B, s0  }
0xc4: {  	[sflag:s0] =	ssyncadd.remote.s32 $0x1  }
0xc5: {  	_ =	sfence.sel $0xFFFF  }
0xc6: {  	[dreg:$0x0] =	wrdreg $0xFFFFFFFF;
	(pc) =	sbr.abs _section_cstart, $3  }
0xc7: {  	[dreg:$0x1] =	wrdreg $0xFFFFFFFF  }
0xc8: {  	_ =	task.clear_ibuf [dreg:s7], $0x2FFFF;
	_ =	strace $0x9FFFFFFF  }
0xc9: {  	(tm) =	ssettm $0x7FFFFFFF  }
tec
execute0_lowered:
.L_overlay_start_1:
0x0: {  	(tag) =	ssettag $0x1  }
0x1: {  	s5 =	rddreg [dreg:$0x0]  }
0x2: {  	s1 =	rddreg [dreg:$0x1]  }
0x3: {  	s2 =	rddreg [dreg:$0x2];
	s4 =	srdreg.scid  }
0x4: {  	s0 =	rddreg [dreg:$0x3];
	s6 =	sand.u32 $0x1, s4  }
0x5: {  	s3 =	simm.s32 $0x0;
	s4 =	stileid.u32;
	s7 =	smul.u32 $0x9E00, s6  }
0x6: {  	s28 =	simm.s32 $0x2;
	s29 =	simm.s32 $0x0;
	s8 =	smul.u32 $0x50000, s4  }
0x7: {  	[smem:$0x7FF] =	sst s3;
	s19 =	sadd.s32 $0x66000, s5;
	s16 =	smul.u32 $0x140000, s6  }
0x8: {  	_ =	strace $0x8000004D;
	s24 =	ssub.s32 $0x2, s6;
	s17 =	smul.u32 $0x14000, s4  }
0x9: {  	s23 =	smul.u32 $0x9E0, s4;
	s25 =	sshrl.u32 s24, $0x1;
	s20 =	sadd.s32 s7, s5  }
0xa: {  	s8 =	sshrl.u32 s8, $0x2;
	s26 =	ssub.s32 s24, s25;
	s11 =	sadd.s32 s16, s17  }
0xb: {  	s12 =	sadd.s32 $0x4000, s17;
	s14 =	sadd.s32 $0x8000, s17;
	s18 =	sadd.s32 $0xC000, s17  }
0xc: {  	s22 =	sadd.s32 $0x10000, s17;
	s24 =	simm.s32 $0x100;
	s25 =	simm.s32 $0x1  }
0xd: {  	s5 =	sadd.s32 s8, s2;
	s6 =	smax.u32 s26, $0x1;
	s11 =	sshrl.u32 s11, $0x3  }
0xe: {  	s13 =	sadd.s32 s16, s12;
	s12 =	sadd.s32 s12, s2;
	s15 =	sadd.s32 s16, s14  }
0xf: {  	s14 =	sadd.s32 s14, s2;
	s21 =	sadd.s32 s16, s18;
	s31 =	sadd.s32 s16, s22  }
0x10: {  	s16 =	sadd.s32 s18, s2;
	s18 =	sadd.s32 s22, s2;
	s20 =	sadd.s32 s23, s20  }
0x11: {  	s22 =	simm.s32 $0x3;
	s23 =	simm.s32 $0x80;
	s26 =	simm.s32 $0x180  }
0x12: {  	s7 =	sadd.s32 $0x4000, s5;
	s8 =	sadd.s32 $0x8000, s5;
	s9 =	sadd.s32 $0xC000, s5  }
0x13: {  	s10 =	sadd.s32 $0x10000, s5;
	s11 =	sadd.s32 s19, s11;
	s13 =	sshrl.u32 s13, $0x3  }
0x14: {  	s15 =	sshrl.u32 s15, $0x3;
	s30 =	sshrl.u32 s21, $0x3;
	s21 =	sshrl.u32 s31, $0x3  }
0x15: {  	s20 =	sadd.s32 $0x52400, s20;
	s13 =	sadd.s32 s19, s13;
	s15 =	sadd.s32 s19, s15  }
0x16: {  	v0 =	vimm.f32 $0.0e+00;
	s17 =	sadd.s32 s19, s30;
	s19 =	sadd.s32 s19, s21;
	s21 =	simm.s32 $0x200  }
.LBB2_1:
0x17: {  	s30 =	simm.s32 $0x0;
	s31 =	simm.s32 $0x200  }
.LBB2_2:
0x18: {  	p0 =	sne.s32 s31, $0xFE00;
	[tilespmem:s30+$0x270] =	vst v0  }
0x19: {  	[tilespmem:s30+$0x200] =	vst v0  }
0x1a: {  	[tilespmem:s30+$0x210] =	vst v0  }
.Ltmp0:
0x1b: {  	[tilespmem:s30+$0x220] =	vst v0;
	(pc) =	sbr.rel @p0 .LBB2_2-.Ltmp0, $4  }
0x1c: {  	[tilespmem:s30+$0x230] =	vst v0  }
0x1d: {  	[tilespmem:s30+$0x240] =	vst v0  }
0x1e: {  	[tilespmem:s30+$0x250] =	vst v0  }
0x1f: {  	[tilespmem:s30+$0x260] =	vst v0;
	s30 =	sshra.s32 s31, $0x2;
	s31 =	sadd.s32 $0x200, s31  }
0x20: {  	[tilespmem:s30+$0x270] =	vst v0  }
0x21: {  	[tilespmem:s30+$0x200] =	vst v0  }
0x22: {  	[tilespmem:s30+$0x210] =	vst v0  }
0x23: {  	[tilespmem:s30+$0x220] =	vst v0  }
0x24: {  	[tilespmem:s30+$0x230] =	vst v0  }
0x25: {  	[tilespmem:s30+$0x240] =	vst v0  }
0x26: {  	[tilespmem:s30+$0x250] =	vst v0  }
0x27: {  	[tilespmem:s30+$0x260] =	vst v0  }
0x28: {  	[spmem:s5] =	stream.linear.scatter [tilespmem:s21], [sflag:$0x3], $0x4000, $0x38;
	[tilespmem:$0x18200] =	vst v63  }
0x29: {  	_ =	swait.ge [sflag:s22], $0x4000  }
0x2a: {  	[sflag:s22] =	ssyncset.done $0x0  }
0x2b: {  	[sflag:s22] =	ssyncadd.s32 $0xFFFFC000  }
0x2c: {  	[spmem:s7] =	stream.linear.scatter [tilespmem:s21], [sflag:$0x3], $0x4000, $0x38;
	[tilespmem:$0x18200] =	vst v63  }
0x2d: {  	_ =	swait.ge [sflag:s22], $0x4000  }
0x2e: {  	[sflag:s22] =	ssyncset.done $0x0  }
0x2f: {  	[sflag:s22] =	ssyncadd.s32 $0xFFFFC000  }
0x30: {  	[spmem:s8] =	stream.linear.scatter [tilespmem:s21], [sflag:$0x3], $0x4000, $0x38;
	[tilespmem:$0x18200] =	vst v63  }
0x31: {  	_ =	swait.ge [sflag:s22], $0x4000  }
0x32: {  	[sflag:s22] =	ssyncset.done $0x0  }
0x33: {  	[sflag:s22] =	ssyncadd.s32 $0xFFFFC000  }
0x34: {  	[spmem:s9] =	stream.linear.scatter [tilespmem:s21], [sflag:$0x3], $0x4000, $0x38;
	[tilespmem:$0x18200] =	vst v63  }
0x35: {  	_ =	swait.ge [sflag:s22], $0x4000  }
0x36: {  	[sflag:s22] =	ssyncset.done $0x0  }
0x37: {  	[sflag:s22] =	ssyncadd.s32 $0xFFFFC000  }
0x38: {  	[spmem:s10] =	stream.linear.scatter [tilespmem:s21], [sflag:$0x3], $0x4000, $0x38;
	[tilespmem:$0x18200] =	vst v63  }
0x39: {  	_ =	swait.ge [sflag:s22], $0x4000  }
0x3a: {  	[sflag:s22] =	ssyncset.done $0x0  }
0x3b: {  	[sflag:s22] =	ssyncadd.s32 $0xFFFFC000  }
0x3c: {  	s30 =	sadd.s32 $0x0, s20;
	[bflag:$0x0] =	sbarrier.arrive $0xFFFF  }
0x3d: {  	[tilespmem:s3], [sflag:$0x3] =	stream.linear.gather [hbm4b:s30+s3], $0x100, $0x38;
	[tilespmem:$0x18200] =	vst v63  }
0x3e: {  	_ =	swait.ge [sflag:s22], $0x100  }
0x3f: {  	[sflag:s22] =	ssyncset.done $0x0  }
0x40: {  	[sflag:s22] =	ssyncadd.s32 $0xFFFFFF00  }
0x41: {  	v1 =	vld [tilespmem:$0xF0]  }
0x42: {  	v2 =	vld [tilespmem:$0xE0]  }
0x43: {  	v3 =	vld [tilespmem:$0x70]  }
0x44: {  	v4 =	vld [tilespmem:$0xD0]  }
0x45: {  	v5 =	vld [tilespmem:$0x60]  }
0x46: {  	v6 =	vld [tilespmem:$0xC0];
	[tilespmem:$0x1F0] =	vst v1  }
0x47: {  	v7 =	vld [tilespmem:$0x50];
	[tilespmem:$0x1E0] =	vst v2  }
0x48: {  	v8 =	vld [tilespmem:$0xB0];
	[tilespmem:$0x170] =	vst v3  }
0x49: {  	v3 =	vld [tilespmem:$0x40];
	[tilespmem:$0x1D0] =	vst v4  }
0x4a: {  	v1 =	vld [tilespmem:$0x30];
	[tilespmem:$0x160] =	vst v5  }
0x4b: {  	v2 =	vld [tilespmem:$0xA0];
	[tilespmem:$0x1C0] =	vst v6  }
0x4c: {  	v4 =	vld [tilespmem:$0x90];
	[tilespmem:$0x150] =	vst v7  }
0x4d: {  	s30 =	simm.s32 $0x20;
	v5 =	vld [tilespmem:$0x20];
	[tilespmem:$0x1B0] =	vst v8  }
.LBB2_4:
0x4e: {  	p0 =	sne.s32 s30, $0x9C0;
	v6 =	vld [tilespmem:$0x0];
	[tilespmem:$0x140] =	vst v3;
	s31 =	smov.u32 s30;
	s30 =	sadd.s32 $0x20, s30  }
0x4f: {  	v3 =	vld [tilespmem:$0x10];
	[tilespmem:$0x130] =	vst v1  }
0x50: {  	v1 =	vld [tilespmem:$0x80];
	[tilespmem:$0x1A0] =	vst v2  }
0x51: {  	[tilespmem:$0x190] =	vst v4  }
0x52: {  	[tilespmem:$0x120] =	vst v5  }
0x53: {  	[tilespmem:$0x100] =	vst v6  }
0x54: {  	[tilespmem:$0x110] =	vst v3  }
0x55: {  	[tilespmem:$0x180] =	vst v1  }
0x56: {  	[tilespmem:s21], [sflag:$0x1] =	stream.indirect.gather [hbm4b:s1+s23], $0x80, s24, s23, $0xb8;
	[tilespmem:$0x18200] =	vst v63  }
0x57: {  	_ =	swait.ge [sflag:s25], $0x4000  }
0x58: {  	[sflag:s25] =	ssyncset.done $0x0  }
0x59: {  	[sflag:s25] =	ssyncadd.s32 $0xFFFFC000  }
0x5a: {  	[spmem:s2] =	stream.indirect.scatter.add.f32 [tilespmem:s21], [sflag:$0x2], $0x80, s26, s23, $0xb8;
	[tilespmem:$0x18200] =	vst v63  }
0x5b: {  	_ =	swait.ge [sflag:s28], $0x4000  }
0x5c: {  	[sflag:s28] =	ssyncset.done $0x0  }
0x5d: {  	s31 =	sadd.s32 s31, s20;
	[sflag:s28] =	ssyncadd.s32 $0xFFFFC000  }
0x5e: {  	[tilespmem:s3], [sflag:$0x3] =	stream.linear.gather [hbm4b:s31+s3], $0x100, $0x38;
	[tilespmem:$0x18200] =	vst v63  }
0x5f: {  	_ =	swait.ge [sflag:s22], $0x100  }
0x60: {  	[sflag:s22] =	ssyncset.done $0x0  }
0x61: {  	[sflag:s22] =	ssyncadd.s32 $0xFFFFFF00  }
0x62: {  	v1 =	vld [tilespmem:$0xF0]  }
0x63: {  	v2 =	vld [tilespmem:$0xE0]  }
0x64: {  	v3 =	vld [tilespmem:$0x70]  }
0x65: {  	v4 =	vld [tilespmem:$0xD0]  }
0x66: {  	v5 =	vld [tilespmem:$0x60]  }
0x67: {  	v6 =	vld [tilespmem:$0xC0];
	[tilespmem:$0x1F0] =	vst v1  }
0x68: {  	v7 =	vld [tilespmem:$0x50];
	[tilespmem:$0x1E0] =	vst v2  }
0x69: {  	v8 =	vld [tilespmem:$0xB0];
	[tilespmem:$0x170] =	vst v3  }
.Ltmp1:
0x6a: {  	v3 =	vld [tilespmem:$0x40];
	[tilespmem:$0x1D0] =	vst v4;
	(pc) =	sbr.rel @p0 .LBB2_4-.Ltmp1, $4  }
0x6b: {  	v1 =	vld [tilespmem:$0x30];
	[tilespmem:$0x160] =	vst v5  }
0x6c: {  	v2 =	vld [tilespmem:$0xA0];
	[tilespmem:$0x1C0] =	vst v6  }
0x6d: {  	v4 =	vld [tilespmem:$0x90];
	[tilespmem:$0x150] =	vst v7  }
0x6e: {  	v5 =	vld [tilespmem:$0x20];
	[tilespmem:$0x1B0] =	vst v8  }
0x6f: {  	v6 =	vld [tilespmem:$0x0];
	[tilespmem:$0x140] =	vst v3  }
0x70: {  	v3 =	vld [tilespmem:$0x10];
	[tilespmem:$0x130] =	vst v1  }
0x71: {  	v1 =	vld [tilespmem:$0x80];
	[tilespmem:$0x1A0] =	vst v2  }
0x72: {  	[tilespmem:$0x190] =	vst v4  }
0x73: {  	[tilespmem:$0x120] =	vst v5  }
0x74: {  	[tilespmem:$0x100] =	vst v6  }
0x75: {  	[tilespmem:$0x110] =	vst v3  }
0x76: {  	[tilespmem:$0x180] =	vst v1  }
0x77: {  	[tilespmem:s21], [sflag:$0x1] =	stream.indirect.gather [hbm4b:s1+s23], $0x80, s24, s23, $0xb8;
	[tilespmem:$0x18200] =	vst v63  }
0x78: {  	_ =	swait.ge [sflag:s25], $0x4000  }
0x79: {  	[sflag:s25] =	ssyncset.done $0x0  }
0x7a: {  	[sflag:s25] =	ssyncadd.s32 $0xFFFFC000  }
0x7b: {  	[spmem:s2] =	stream.indirect.scatter.add.f32 [tilespmem:s21], [sflag:$0x2], $0x80, s26, s23, $0xb8;
	[tilespmem:$0x18200] =	vst v63  }
0x7c: {  	_ =	swait.ge [sflag:s28], $0x4000  }
0x7d: {  	[sflag:s28] =	ssyncset.done $0x0  }
0x7e: {  	[sflag:s28] =	ssyncadd.s32 $0xFFFFC000  }
0x7f: {  	[bflag:$0x0] =	sbarrier.arrive $0xFFFF  }
0x80: {  	[tilespmem:s21], [sflag:$0x3] =	stream.linear.gather [spmem:s5], $0x4000, $0x38;
	[tilespmem:$0x18200] =	vst v63  }
0x81: {  	_ =	swait.ge [sflag:s22], $0x4000  }
0x82: {  	[sflag:s22] =	ssyncset.done $0x0  }
0x83: {  	[sflag:s22] =	ssyncadd.s32 $0xFFFFC000  }
0x84: {  	[hbm4b:s11+s3] =	stream.linear.scatter [tilespmem:s21], [sflag:$0x3], $0x4000, $0x38;
	[tilespmem:$0x18200] =	vst v63  }
0x85: {  	_ =	swait.ge [sflag:s22], $0x4000  }
0x86: {  	[sflag:s22] =	ssyncset.done $0x0  }
0x87: {  	[sflag:s22] =	ssyncadd.s32 $0xFFFFC000  }
0x88: {  	[tilespmem:s21], [sflag:$0x3] =	stream.linear.gather [spmem:s12], $0x4000, $0x38;
	[tilespmem:$0x18200] =	vst v63  }
0x89: {  	_ =	swait.ge [sflag:s22], $0x4000  }
0x8a: {  	[sflag:s22] =	ssyncset.done $0x0  }
0x8b: {  	[sflag:s22] =	ssyncadd.s32 $0xFFFFC000  }
0x8c: {  	[hbm4b:s13+s3] =	stream.linear.scatter [tilespmem:s21], [sflag:$0x3], $0x4000, $0x38;
	[tilespmem:$0x18200] =	vst v63  }
0x8d: {  	_ =	swait.ge [sflag:s22], $0x4000  }
0x8e: {  	[sflag:s22] =	ssyncset.done $0x0  }
0x8f: {  	[sflag:s22] =	ssyncadd.s32 $0xFFFFC000  }
0x90: {  	[tilespmem:s21], [sflag:$0x3] =	stream.linear.gather [spmem:s14], $0x4000, $0x38;
	[tilespmem:$0x18200] =	vst v63  }
0x91: {  	_ =	swait.ge [sflag:s22], $0x4000  }
0x92: {  	[sflag:s22] =	ssyncset.done $0x0  }
0x93: {  	[sflag:s22] =	ssyncadd.s32 $0xFFFFC000  }
0x94: {  	[hbm4b:s15+s3] =	stream.linear.scatter [tilespmem:s21], [sflag:$0x3], $0x4000, $0x38;
	[tilespmem:$0x18200] =	vst v63  }
0x95: {  	_ =	swait.ge [sflag:s22], $0x4000  }
0x96: {  	[sflag:s22] =	ssyncset.done $0x0  }
0x97: {  	[sflag:s22] =	ssyncadd.s32 $0xFFFFC000  }
0x98: {  	[tilespmem:s21], [sflag:$0x3] =	stream.linear.gather [spmem:s16], $0x4000, $0x38;
	[tilespmem:$0x18200] =	vst v63  }
0x99: {  	_ =	swait.ge [sflag:s22], $0x4000  }
0x9a: {  	[sflag:s22] =	ssyncset.done $0x0  }
0x9b: {  	[sflag:s22] =	ssyncadd.s32 $0xFFFFC000  }
0x9c: {  	[hbm4b:s17+s3] =	stream.linear.scatter [tilespmem:s21], [sflag:$0x3], $0x4000, $0x38;
	[tilespmem:$0x18200] =	vst v63  }
0x9d: {  	_ =	swait.ge [sflag:s22], $0x4000  }
0x9e: {  	[sflag:s22] =	ssyncset.done $0x0  }
0x9f: {  	[sflag:s22] =	ssyncadd.s32 $0xFFFFC000  }
0xa0: {  	[tilespmem:s21], [sflag:$0x3] =	stream.linear.gather [spmem:s18], $0x4000, $0x38;
	[tilespmem:$0x18200] =	vst v63  }
0xa1: {  	s29 =	sadd.s32 $0x1, s29;
	_ =	swait.ge [sflag:s22], $0x4000  }
0xa2: {  	p0 =	sne.s32 s29, s6;
	[sflag:s22] =	ssyncset.done $0x0  }
.Ltmp2:
0xa3: {  	[sflag:s22] =	ssyncadd.s32 $0xFFFFC000;
	(pc) =	sbr.rel @p0 .LBB2_1-.Ltmp2, $4  }
0xa4: {  	[hbm4b:s19+s3] =	stream.linear.scatter [tilespmem:s21], [sflag:$0x3], $0x4000, $0x38;
	[tilespmem:$0x18200] =	vst v63  }
0xa5: {  	_ =	swait.ge [sflag:s22], $0x4000  }
0xa6: {  	[sflag:s22] =	ssyncset.done $0x0  }
0xa7: {  	[sflag:s22] =	ssyncadd.s32 $0xFFFFC000  }
0xa8: {  	_ =	sfence.sel $0x180000  }
0xa9: {  	[bflag:$0x0] =	sbarrier.arrive $0xFFFF  }
0xaa: {  	p0 =	sne.s32 s4, $0x0;
	_ =	strace $0x9000004D  }
0xab: {  	s0 =	sadd.s32 @!p0 $0x100000, s0;
	[bflag:$0x2] =	sbarrier.arrive $0xFFFF  }
0xac: {  	[sflag:s0] =	ssyncadd.tile.s32 @!p0 $0x1;
	_ =	shalt  }
.Lfunc_end2:
_tile_overlayer_lowered:
.L_overlay_start_2:
0xad: {  	(tag) =	ssettag $0x2  }
0xae: {  	s0 =	rddreg [dreg:$0x0];
	s2 =	stileid.u32  }
0xaf: {  	s1 =	rddreg [dreg:$0x1];
	p0 =	sne.s32 s2, $0x0  }
0xb0: {  	s3 =	rddreg [dreg:$0x2];
	[bflag:$0x3] =	sbarrier.arrive $0xFFFF;
	s2 =	simm.s32 @!p0 $0x1C03  }
0xb1: {  	[timem:s3], [sflag:s2] =	dma.local @!p0 [hbm:s0], s1  }
0xb2: {  	s0 =	simm.s32 @!p0 $0x3  }
0xb3: {  	_ =	swait.ge @!p0 [sflag:s0], s1  }
0xb4: {  	s1 =	ssub.s32 @!p0 $0x0, s1;
	[sflag:s0] =	ssyncset.done @!p0 $0x0  }
0xb5: {  	[sflag:s0] =	ssyncadd.s32 @!p0 s1  }
0xb6: {  	[bflag:$0x3] =	sbarrier.arrive $0xFFFF  }
0xb7: {  	_ =	shalt  }

// kernel: kernel.8.cloned.1.call-start
scs
__scs_entry_jumppad:
0x0: {  	(pc) =	sbr.rel $0x88, $3  }
0x1: {  	(tag) =	ssettag $0x0;
	lr =	simm.s32 $0x1  }
0x2: {  	[smem:$0x3F99] =	sst lr;
	_ =	strace $0xD0000000  }
0x3: {  	_ = 	snop  }
0x4: {  	_ = 	snop  }
0x5: {  	_ = 	snop  }
0x6: {  	_ = 	snop  }
0x7: {  	_ = 	snop  }
__scs_overlays_trampoline_lowered:
0x8: {  	[smem:$0x3FA8] =	sst s0  }
0x9: {  	[smem:$0x3FA9] =	sst s1  }
0xa: {  	[smem:$0x3FAA] =	sst s2  }
0xb: {  	[smem:$0x3FAB] =	sst s3  }
0xc: {  	[smem:$0x3FAC] =	sst s4  }
0xd: {  	[smem:$0x3FAD] =	sst s5  }
0xe: {  	[smem:$0x3FAE] =	sst s6  }
0xf: {  	[smem:$0x3FAF] =	sst s7  }
0x10: {  	[smem:$0x3FB0] =	sst s8  }
0x11: {  	[smem:$0x3FB1] =	sst s9;
	s0 =	simm.s32 @!p0 $0x0  }
0x12: {  	s1 =	sld [smem:$0x3F97];
	s0 =	simm.s32 @p0 $0x1  }
0x13: {  	[smem:$0x3FB2] =	sst s0;
	s0 =	simm.s32 @!p1 $0x0  }
0x14: {  	s2 =	sld [smem:$0x3F96];
	s0 =	simm.s32 @p1 $0x1  }
0x15: {  	[smem:$0x3FB3] =	sst s0;
	s0 =	simm.s32 @!p2 $0x0  }
0x16: {  	s3 =	sld [smem:$0x3FDB];
	s0 =	simm.s32 @p2 $0x1  }
0x17: {  	s4 =	simm.s32 $0x1BF5;
	[smem:$0x3FB5] =	sst s0  }
0x18: {  	s0 =	sld [smem:$0x3F98];
	_ =	swait.ge [sflag:s4], $0x0  }
0x19: {  	s7 =	sld [smem:$0x3F99]  }
0x1a: {  	s8 =	sadd.s32 $0xFFFFE003, lr  }
0x1b: {  	s9 =	sadd.s32 $0xFFFFFEF7, lr;
	s5 =	simm.s32 $0xFFFFFFFF;
	p2 =	slt.u32 s8, $0xFFFFF086  }
0x1c: {  	p1 =	slt.u32 s9, $0xF7A;
	s5 =	simm.s32 @!p2 $0x0  }
0x1d: {  	s5 =	simm.s32 @p1 $0x1;
	p0 =	seq.s32 s7, s2  }
0x1e: {  	s7 =	smul.u32 @!p0 $0xF7A, s2;
	p2 =	seq.s32 @!p0 s5, $0x0  }
0x1f: {  	s9 =	smul.u32 $0xF7A, s1;
	s8 =	simm.s32 @!p0 $0x1BF5;
	p2 =	por !p2, p0  }
0x20: {  	[sflag:s8] =	ssyncset.s32 @!p0 $0xFFFFF086;
	s6 =	sadd.s32 @!p0 s3, s7;
	s7 =	simm.s32 @!p0 $0x108  }
0x21: {  	s3 =	sadd.s32 s3, s9;
	s6 =	sadd.s32 @!p0 $0x88, s6;
	s7 =	simm.s32 @p2 $0x1082  }
0x22: {  	[simem:s7], [sflag:s8] =	dma.local @!p0 [hbm:s6], $0xF7A  }
0x23: {  	s9 =	sor.u32 $0xD0000000, s2;
	s6 =	simm.s32 $0x108;
	_ =	swait.ge @!p0 [sflag:s8], $0x0  }
0x24: {  	s3 =	sadd.s32 $0x88, s3;
	s6 =	simm.s32 @!p1 $0x1082;
	[sflag:s4] =	ssyncset.s32 $0xFFFFF086  }
0x25: {  	[simem:s6], [sflag:s4] =	dma.local [hbm:s3], $0xF7A  }
0x26: {  	[smem:$0x3F99] =	sst s1;
	(tag) =	ssettag s2;
	_ =	strace s9  }
0x27: {  	s1 =	sld [smem:$0x3FA9]  }
0x28: {  	s2 =	sld [smem:$0x3FAA]  }
0x29: {  	s4 =	sld [smem:$0x3FAC]  }
0x2a: {  	p0 =	seq.s32 s5, $0x0;
	s5 =	sld [smem:$0x3FAD]  }
0x2b: {  	s6 =	sld [smem:$0x3FAE]  }
0x2c: {  	s7 =	sld [smem:$0x3FAF]  }
0x2d: {  	s3 =	simm.s32 $0x108;
	s8 =	sld [smem:$0x3FB0]  }
0x2e: {  	s3 =	simm.s32 @!p0 $0x1082;
	s9 =	sld [smem:$0x3FB1]  }
0x2f: {  	lr =	sadd.s32 s0, s3;
	s0 =	sld [smem:$0x3FA8]  }
0x30: {  	s3 =	sld [smem:$0x3FAB]  }
0x31: {  	[smem:$0x3FB4] =	sst s10  }
0x32: {  	s10 =	sld [smem:$0x3FB2];
	_ =	sdelay $0x3  }
0x33: {  	p0 =	seq.s32 s10, $0x1;
	s10 =	sld [smem:$0x3FB4];
	_ =	sdelay $0x3  }
0x34: {  	[smem:$0x3FB4] =	sst s10  }
0x35: {  	s10 =	sld [smem:$0x3FB3];
	_ =	sdelay $0x3  }
0x36: {  	p1 =	seq.s32 s10, $0x1;
	s10 =	sld [smem:$0x3FB4];
	_ =	sdelay $0x3  }
0x37: {  	[smem:$0x3FB4] =	sst s10  }
0x38: {  	s10 =	sld [smem:$0x3FB5]  }
0x39: {  	_ = 	snop;
	(pc) =	sbr.ind lr, $3  }
0x3a: {  	_ = 	snop  }
0x3b: {  	_ = 	snop  }
0x3c: {  	p2 =	seq.s32 s10, $0x1;
	s10 =	sld [smem:$0x3FB4]  }
0x3d: {  	_ =	shalt  }
0x3e: {  	_ =	shalt  }
0x3f: {  	_ =	shalt  }
0x40: {  	_ =	shalt  }
0x41: {  	_ =	shalt  }
0x42: {  	_ =	shalt  }
0x43: {  	_ =	shalt  }
0x44: {  	_ =	shalt  }
0x45: {  	_ =	shalt  }
0x46: {  	_ =	shalt  }
0x47: {  	_ =	shalt  }
0x48: {  	_ =	shalt  }
0x49: {  	_ =	shalt  }
0x4a: {  	_ =	shalt  }
0x4b: {  	_ =	shalt  }
0x4c: {  	_ =	shalt  }
0x4d: {  	_ =	shalt  }
0x4e: {  	_ =	shalt  }
0x4f: {  	_ =	shalt  }
0x50: {  	_ =	shalt  }
0x51: {  	_ =	shalt  }
0x52: {  	_ =	shalt  }
0x53: {  	_ =	shalt  }
0x54: {  	_ =	shalt  }
0x55: {  	_ =	shalt  }
0x56: {  	_ =	shalt  }
0x57: {  	_ =	shalt  }
0x58: {  	_ =	shalt  }
0x59: {  	_ =	shalt  }
0x5a: {  	_ =	shalt  }
0x5b: {  	_ =	shalt  }
0x5c: {  	_ =	shalt  }
0x5d: {  	_ =	shalt  }
0x5e: {  	_ =	shalt  }
0x5f: {  	_ =	shalt  }
0x60: {  	_ =	shalt  }
0x61: {  	_ =	shalt  }
0x62: {  	_ =	shalt  }
0x63: {  	_ =	shalt  }
0x64: {  	_ =	shalt  }
0x65: {  	_ =	shalt  }
0x66: {  	_ =	shalt  }
0x67: {  	_ =	shalt  }
0x68: {  	_ =	shalt  }
0x69: {  	_ =	shalt  }
0x6a: {  	_ =	shalt  }
0x6b: {  	_ =	shalt  }
0x6c: {  	_ =	shalt  }
0x6d: {  	_ =	shalt  }
0x6e: {  	_ =	shalt  }
0x6f: {  	_ =	shalt  }
0x70: {  	_ =	shalt  }
0x71: {  	_ =	shalt  }
0x72: {  	_ =	shalt  }
0x73: {  	_ =	shalt  }
0x74: {  	_ =	shalt  }
0x75: {  	_ =	shalt  }
0x76: {  	_ =	shalt  }
0x77: {  	_ =	shalt  }
0x78: {  	_ =	shalt  }
0x79: {  	_ =	shalt  }
0x7a: {  	_ =	shalt  }
0x7b: {  	_ =	shalt  }
0x7c: {  	_ =	shalt  }
0x7d: {  	_ =	shalt  }
0x7e: {  	_ =	shalt  }
0x7f: {  	_ =	shalt  }
0x80: {  	_ =	shalt  }
0x81: {  	_ =	shalt  }
0x82: {  	_ =	shalt  }
0x83: {  	_ =	shalt  }
0x84: {  	_ =	shalt  }
0x85: {  	_ =	shalt  }
0x86: {  	_ =	shalt  }
0x87: {  	_ =	shalt  }
.Lfunc_end0:
.L_simem_size_0:
called_computation_lowered:
.L_overlay_start_0:
0x88: {  	s2 =	sld [smem:$0x3FD9]  }
0x89: {  	s3 =	sld [smem:$0x3FFE];
	_ =	sdelay $0x1  }
0x8a: {  	s1 =	srdreg.scid  }
0x8b: {  	s0 =	sand.u32 $0x1, s1  }
0x8c: {  	s14 =	sshll.u32 s0, $0xA;
	s2 =	sadd.s32 s3, s2  }
0x8d: {  	s2 =	sadd.s32 s2, s14  }
0x8e: {  	[smem:$0x3FC0] =	sst s2  }
0x8f: {  	_ = 	snop  }
0x90: {  	s2 =	sld [smem:$0x3FD0];
	_ =	sdelay $0x2  }
0x91: {  	s15 =	simm.s32 $0xA;
	s4 =	simm.s32 $0x10  }
0x92: {  	[smem:s4], [sflag:s15] =	dma.local [hbm:s2], $0x1  }
0x93: {  	_ =	swait.eq [sflag:s15], $0x1  }
0x94: {  	[sflag:s15] =	ssyncset.done $0x0  }
0x95: {  	[sflag:s15] =	ssyncadd.s32 $0xFFFFFFFF  }
0x96: {  	s16 =	sld [smem:$0x11];
	(tm) =	ssettm $0x1  }
0x97: {  	s17 =	sld [smem:$0x3FFB];
	_ =	sdelay $0x3  }
0x98: {  	_ =	strace s17  }
0x99: {  	s3 =	sld [smem:$0x3FFC];
	_ =	sdelay $0x3  }
0x9a: {  	_ =	strace s3  }
0x9b: {  	s3 =	sld [smem:$0x3FFD];
	_ =	sdelay $0x3  }
0x9c: {  	_ =	strace s3  }
0x9d: {  	_ =	strace $0x8FFFFFFF  }
0x9e: {  	s18 =	sld [smem:$0x3FDB];
	_ =	sdelay $0x1  }
0x9f: {  	s19 =	simm.s32 $_scs_section_size  }
0xa0: {  	s5 =	simm.s32 $_size__tile_overlayer_lowered;
	s6 =	simm.s32 $_tile_overlayer_lowered  }
0xa1: {  	s22 =	simm.s32 $0x1BFF;
	s21 =	sshll.u32 s6, $0x1;
	s3 =	sadd.s32 s19, s18  }
0xa2: {  	s7 =	simm.s32 $0x0;
	s20 =	sshll.u32 s5, $0x1;
	s5 =	sadd.s32 s21, s3  }
0xa3: {  	[timem:s7], [sflag:s22] =	dma.local [hbm:s5], s20  }
0xa4: {  	_ =	swait.ge [sflag:s22], s20  }
0xa5: {  	s4 =	ssub.s32 $0x0, s20;
	[sflag:s22] =	ssyncset.done $0x0  }
0xa6: {  	[sflag:s22] =	ssyncadd.s32 s4;
	_ =	sdelay $0x1  }
0xa7: {  	s23 =	simm.s32 $0x1B8B  }
0xa8: {  	_ =	swait.ge [sflag:s23], $0x1  }
0xa9: {  	[sflag:s23] =	ssyncset.done $0x0  }
0xaa: {  	s25 =	simm.s32 $0x1B8E;
	s24 =	sld [smem:$0x3FFE];
	[sflag:s23] =	ssyncadd.s32 $0xFFFFFFFF  }
0xab: {  	s26 =	simm.s32 $execute0_lowered;
	[smem:$0x3FD2] =	sst s25  }
0xac: {  	s5 =	sshll.u32 s26, $0x1;
	_ =	strace $0x80000046;
	[dreg:$0x1] =	wrdreg $0xFFFFFFFF  }
0xad: {  	s28 =	simm.s32 $_size_execute0_lowered;
	s3 =	sadd.s32 s3, s5;
	[dreg:$0x0] =	wrdreg $0x0  }
0xae: {  	s5 =	sshll.u32 s28, $0x1;
	[dreg:$0x2] =	wrdreg s3  }
0xaf: {  	[dreg:$0x3] =	wrdreg s5  }
0xb0: {  	[dreg:$0x4] =	wrdreg $0xC0  }
0xb1: {  	_ =	task [dreg:s7], $0x5FFFF  }
0xb2: {  	[dreg:$0x1] =	wrdreg $0xFFFFFFFF  }
0xb3: {  	[dreg:$0x0] =	wrdreg $0x60  }
0xb4: {  	[dreg:$0x2] =	wrdreg s16  }
0xb5: {  	[dreg:$0x3] =	wrdreg s24  }
0xb6: {  	[dreg:$0x4] =	wrdreg $0x40800  }
0xb7: {  	[dreg:$0x5] =	wrdreg $0x9  }
0xb8: {  	_ =	task.clear_ibuf [dreg:s7], $0x6FFFF;
	_ =	strace $0x90000046  }
0xb9: {  	s29 =	simm.s32 $0x9;
	_ =	strace $0x80000048  }
0xba: {  	_ =	swait.ge [sflag:s29], $0x1  }
0xbb: {  	[sflag:s29] =	ssyncadd.s32 $0xFFFFFFFF  }
0xbc: {  	_ =	strace $0x90000048  }
0xbd: {  	_ =	sfence  }
0xbe: {  	s30 =	sld [smem:$0x0];
	_ =	sdelay $0x2  }
0xbf: {  	s31 =	sshll.u32 s1, $0xD;
	s1 =	sshrl.u32 s1, $0x2  }
0xc0: {  	s3 =	sand.u32 $0x4000, s31;
	s1 =	sadd.s32 s1, s30  }
0xc1: {  	s0 =	sor.u32 s3, s0;
	s1 =	sshll.u32 s1, $0x11  }
0xc2: {  	s0 =	sor.u32 s1, s0  }
0xc3: {  	s0 =	sadd.s32 $0x8F2B, s0  }
0xc4: {  	[sflag:s0] =	ssyncadd.remote.s32 $0x1  }
0xc5: {  	_ =	sfence.sel $0xFFFF  }
0xc6: {  	[dreg:$0x0] =	wrdreg $0xFFFFFFFF;
	(pc) =	sbr.abs _section_cstart, $3  }
0xc7: {  	[dreg:$0x1] =	wrdreg $0xFFFFFFFF  }
0xc8: {  	_ =	task.clear_ibuf [dreg:s7], $0x2FFFF;
	_ =	strace $0x9FFFFFFF  }
0xc9: {  	(tm) =	ssettm $0x7FFFFFFF  }
tec
execute0_lowered:
.L_overlay_start_1:
0x0: {  	(tag) =	ssettag $0x1  }
0x1: {  	s17 =	rddreg [dreg:$0x0]  }
0x2: {  	s5 =	rddreg [dreg:$0x1]  }
0x3: {  	s2 =	rddreg [dreg:$0x2];
	s1 =	stileid.u32  }
0x4: {  	s0 =	rddreg [dreg:$0x3];
	s29 =	smul.u32 $0x50000, s1  }
0x5: {  	s3 =	simm.s32 $0x0;
	s4 =	srdreg.scid;
	s19 =	smul.u32 $0x14000, s1  }
0x6: {  	[smem:$0x7FF] =	sst s3;
	s16 =	sand.u32 $0x1, s4;
	s31 =	smul.u32 $0x4F0, s1  }
0x7: {  	s20 =	sadd.s32 $0x2400, s5;
	s6 =	ssub.s32 $0x2, s16;
	s18 =	smul.u32 $0x140000, s16  }
0x8: {  	_ =	strace $0x80000047;
	s22 =	smul.u32 $0x4F00, s16;
	s7 =	sshrl.u32 s6, $0x1  }
0x9: {  	s4 =	sshrl.u32 s29, $0x2;
	s11 =	sadd.s32 $0x4000, s19;
	s13 =	sadd.s32 $0x8000, s19  }
0xa: {  	s21 =	sadd.s32 $0xC000, s19;
	s6 =	ssub.s32 s6, s7;
	s4 =	sadd.s32 s4, s2  }
0xb: {  	s10 =	sadd.s32 s18, s19;
	s12 =	sadd.s32 s18, s11;
	s11 =	sadd.s32 s11, s2  }
0xc: {  	s14 =	sadd.s32 s18, s13;
	s13 =	sadd.s32 s13, s2;
	s15 =	sadd.s32 s21, s2  }
0xd: {  	s21 =	sadd.s32 s18, s21;
	s19 =	sadd.s32 $0x10000, s19;
	s22 =	sadd.s32 s22, s17  }
0xe: {  	s5 =	smax.u32 s6, $0x1;
	s6 =	sadd.s32 $0x4000, s4;
	s7 =	sadd.s32 $0x8000, s4  }
0xf: {  	s8 =	sadd.s32 $0xC000, s4;
	s9 =	sadd.s32 $0x10000, s4;
	s10 =	sshrl.u32 s10, $0x3  }
0x10: {  	s12 =	sshrl.u32 s12, $0x3;
	s14 =	sshrl.u32 s14, $0x3;
	s30 =	sshrl.u32 s21, $0x3  }
0x11: {  	s18 =	sadd.s32 s18, s19;
	s17 =	sadd.s32 s19, s2;
	s19 =	sadd.s32 s31, s22  }
0x12: {  	s21 =	simm.s32 $0x1;
	s22 =	simm.s32 $0x0;
	s10 =	sadd.s32 s20, s10  }
0x13: {  	s12 =	sadd.s32 s20, s12;
	s14 =	sadd.s32 s20, s14;
	s18 =	sshrl.u32 s18, $0x3  }
0x14: {  	v0 =	vimm.f32 $0.0e+00;
	v1 =	vimm.f32 $1.000000000e+00;
	s16 =	sadd.s32 s20, s30;
	s18 =	sadd.s32 s20, s18;
	s20 =	simm.s32 $0x80  }
.LBB2_1:
0x15: {  	s23 =	simm.s32 $0x0;
	s24 =	simm.s32 $0x200  }
.LBB2_2:
0x16: {  	p0 =	sne.s32 s24, $0xFE00;
	[tilespmem:s23+$0xF0] =	vst v0  }
0x17: {  	[tilespmem:s23+$0x80] =	vst v0  }
0x18: {  	[tilespmem:s23+$0x90] =	vst v0  }
.Ltmp0:
0x19: {  	[tilespmem:s23+$0xA0] =	vst v0;
	(pc) =	sbr.rel @p0 .LBB2_2-.Ltmp0, $4  }
0x1a: {  	[tilespmem:s23+$0xB0] =	vst v0  }
0x1b: {  	[tilespmem:s23+$0xC0] =	vst v0  }
0x1c: {  	[tilespmem:s23+$0xD0] =	vst v0  }
0x1d: {  	[tilespmem:s23+$0xE0] =	vst v0;
	s23 =	sshra.s32 s24, $0x2;
	s24 =	sadd.s32 $0x200, s24  }
0x1e: {  	[tilespmem:s23+$0xF0] =	vst v0  }
0x1f: {  	[tilespmem:s23+$0x80] =	vst v0  }
0x20: {  	[tilespmem:s23+$0x90] =	vst v0  }
0x21: {  	[tilespmem:s23+$0xA0] =	vst v0  }
0x22: {  	[tilespmem:s23+$0xB0] =	vst v0  }
0x23: {  	[tilespmem:s23+$0xC0] =	vst v0  }
0x24: {  	[tilespmem:s23+$0xD0] =	vst v0  }
0x25: {  	[tilespmem:s23+$0xE0] =	vst v0  }
0x26: {  	[spmem:s4] =	stream.linear.scatter [tilespmem:s20], [sflag:$0x1], $0x4000, $0x38;
	[tilespmem:$0x18080] =	vst v63  }
0x27: {  	_ =	swait.ge [sflag:s21], $0x4000  }
0x28: {  	[sflag:s21] =	ssyncset.done $0x0  }
0x29: {  	[sflag:s21] =	ssyncadd.s32 $0xFFFFC000  }
0x2a: {  	[spmem:s6] =	stream.linear.scatter [tilespmem:s20], [sflag:$0x1], $0x4000, $0x38;
	[tilespmem:$0x18080] =	vst v63  }
0x2b: {  	_ =	swait.ge [sflag:s21], $0x4000  }
0x2c: {  	[sflag:s21] =	ssyncset.done $0x0  }
0x2d: {  	[sflag:s21] =	ssyncadd.s32 $0xFFFFC000  }
0x2e: {  	[spmem:s7] =	stream.linear.scatter [tilespmem:s20], [sflag:$0x1], $0x4000, $0x38;
	[tilespmem:$0x18080] =	vst v63  }
0x2f: {  	_ =	swait.ge [sflag:s21], $0x4000  }
0x30: {  	[sflag:s21] =	ssyncset.done $0x0  }
0x31: {  	[sflag:s21] =	ssyncadd.s32 $0xFFFFC000  }
0x32: {  	[spmem:s8] =	stream.linear.scatter [tilespmem:s20], [sflag:$0x1], $0x4000, $0x38;
	[tilespmem:$0x18080] =	vst v63  }
0x33: {  	_ =	swait.ge [sflag:s21], $0x4000  }
0x34: {  	[sflag:s21] =	ssyncset.done $0x0  }
0x35: {  	[sflag:s21] =	ssyncadd.s32 $0xFFFFC000  }
0x36: {  	[spmem:s9] =	stream.linear.scatter [tilespmem:s20], [sflag:$0x1], $0x4000, $0x38;
	[tilespmem:$0x18080] =	vst v63  }
0x37: {  	_ =	swait.ge [sflag:s21], $0x4000  }
0x38: {  	[sflag:s21] =	ssyncset.done $0x0  }
0x39: {  	s23 =	simm.s32 $0x0;
	s24 =	simm.s32 $0x200;
	[sflag:s21] =	ssyncadd.s32 $0xFFFFC000  }
.LBB2_4:
0x3a: {  	p0 =	sne.s32 s24, $0xFE00;
	[tilespmem:s23+$0xF0] =	vst v1  }
0x3b: {  	[tilespmem:s23+$0x80] =	vst v1  }
0x3c: {  	[tilespmem:s23+$0x90] =	vst v1  }
.Ltmp1:
0x3d: {  	[tilespmem:s23+$0xA0] =	vst v1;
	(pc) =	sbr.rel @p0 .LBB2_4-.Ltmp1, $4  }
0x3e: {  	[tilespmem:s23+$0xB0] =	vst v1  }
0x3f: {  	[tilespmem:s23+$0xC0] =	vst v1  }
0x40: {  	[tilespmem:s23+$0xD0] =	vst v1  }
0x41: {  	[tilespmem:s23+$0xE0] =	vst v1;
	s23 =	sshra.s32 s24, $0x2;
	s24 =	sadd.s32 $0x200, s24  }
0x42: {  	[tilespmem:s23+$0xF0] =	vst v1  }
0x43: {  	[tilespmem:s23+$0x80] =	vst v1  }
0x44: {  	[tilespmem:s23+$0x90] =	vst v1  }
0x45: {  	[tilespmem:s23+$0xA0] =	vst v1  }
0x46: {  	[tilespmem:s23+$0xB0] =	vst v1  }
0x47: {  	[tilespmem:s23+$0xC0] =	vst v1  }
0x48: {  	[tilespmem:s23+$0xD0] =	vst v1  }
0x49: {  	[tilespmem:s23+$0xE0] =	vst v1  }
0x4a: {  	s31 =	sadd.s32 $0x0, s19;
	[bflag:$0x0] =	sbarrier.arrive $0xFFFF  }
0x4b: {  	[tilespmem:s3], [sflag:$0x1] =	stream.linear.gather [hbm4b:s31+s3], $0x80, $0x38;
	[tilespmem:$0x18080] =	vst v63  }
0x4c: {  	_ =	swait.ge [sflag:s21], $0x80  }
0x4d: {  	[sflag:s21] =	ssyncset.done $0x0  }
0x4e: {  	[sflag:s21] =	ssyncadd.s32 $0xFFFFFF80  }
0x4f: {  	[spmem:s2] =	stream.indirect.scatter.add.f32 [tilespmem:s20], [sflag:$0x1], $0x80, s3, s20, $0xb8;
	[tilespmem:$0x18080] =	vst v63  }
0x50: {  	_ =	swait.ge [sflag:s21], $0x4000  }
0x51: {  	s23 =	simm.s32 $0x10;
	s24 =	simm.s32 $0x20;
	[sflag:s21] =	ssyncset.done $0x0  }
.LBB2_6:
0x52: {  	s25 =	sadd.s32 s23, s19  }
0x53: {  	[sflag:s21] =	ssyncadd.s32 $0xFFFFC000;
	s23 =	smov.u32 s24;
	s26 =	sadd.s32 $0x10, s24  }
0x54: {  	[tilespmem:s3], [sflag:$0x1] =	stream.linear.gather [hbm4b:s25+s3], $0x80, $0x38;
	[tilespmem:$0x18080] =	vst v63  }
0x55: {  	p0 =	sne.s32 s24, $0x4E0;
	_ =	swait.ge [sflag:s21], $0x80  }
.Ltmp2:
0x56: {  	[sflag:s21] =	ssyncset.done $0x0;
	(pc) =	sbr.rel @p0 .LBB2_6-.Ltmp2, $4  }
0x57: {  	[sflag:s21] =	ssyncadd.s32 $0xFFFFFF80  }
0x58: {  	[spmem:s2] =	stream.indirect.scatter.add.f32 [tilespmem:s20], [sflag:$0x1], $0x80, s3, s20, $0xb8;
	[tilespmem:$0x18080] =	vst v63  }
0x59: {  	_ =	swait.ge [sflag:s21], $0x4000  }
0x5a: {  	s24 =	smov.u32 s26;
	[sflag:s21] =	ssyncset.done $0x0  }
0x5b: {  	s23 =	sadd.s32 s23, s19;
	[sflag:s21] =	ssyncadd.s32 $0xFFFFC000  }
0x5c: {  	[tilespmem:s3], [sflag:$0x1] =	stream.linear.gather [hbm4b:s23+s3], $0x80, $0x38;
	[tilespmem:$0x18080] =	vst v63  }
0x5d: {  	_ =	swait.ge [sflag:s21], $0x80  }
0x5e: {  	[sflag:s21] =	ssyncset.done $0x0  }
0x5f: {  	[sflag:s21] =	ssyncadd.s32 $0xFFFFFF80  }
0x60: {  	[spmem:s2] =	stream.indirect.scatter.add.f32 [tilespmem:s20], [sflag:$0x1], $0x80, s3, s20, $0xb8;
	[tilespmem:$0x18080] =	vst v63  }
0x61: {  	_ =	swait.ge [sflag:s21], $0x4000  }
0x62: {  	[sflag:s21] =	ssyncset.done $0x0  }
0x63: {  	[sflag:s21] =	ssyncadd.s32 $0xFFFFC000  }
0x64: {  	[bflag:$0x0] =	sbarrier.arrive $0xFFFF  }
0x65: {  	[tilespmem:s20], [sflag:$0x1] =	stream.linear.gather [spmem:s4], $0x4000, $0x38;
	[tilespmem:$0x18080] =	vst v63  }
0x66: {  	_ =	swait.ge [sflag:s21], $0x4000  }
0x67: {  	[sflag:s21] =	ssyncset.done $0x0  }
0x68: {  	[sflag:s21] =	ssyncadd.s32 $0xFFFFC000  }
0x69: {  	[hbm4b:s10+s3] =	stream.linear.scatter [tilespmem:s20], [sflag:$0x1], $0x4000, $0x38;
	[tilespmem:$0x18080] =	vst v63  }
0x6a: {  	_ =	swait.ge [sflag:s21], $0x4000  }
0x6b: {  	[sflag:s21] =	ssyncset.done $0x0  }
0x6c: {  	[sflag:s21] =	ssyncadd.s32 $0xFFFFC000  }
0x6d: {  	[tilespmem:s20], [sflag:$0x1] =	stream.linear.gather [spmem:s11], $0x4000, $0x38;
	[tilespmem:$0x18080] =	vst v63  }
0x6e: {  	_ =	swait.ge [sflag:s21], $0x4000  }
0x6f: {  	[sflag:s21] =	ssyncset.done $0x0  }
0x70: {  	[sflag:s21] =	ssyncadd.s32 $0xFFFFC000  }
0x71: {  	[hbm4b:s12+s3] =	stream.linear.scatter [tilespmem:s20], [sflag:$0x1], $0x4000, $0x38;
	[tilespmem:$0x18080] =	vst v63  }
0x72: {  	_ =	swait.ge [sflag:s21], $0x4000  }
0x73: {  	[sflag:s21] =	ssyncset.done $0x0  }
0x74: {  	[sflag:s21] =	ssyncadd.s32 $0xFFFFC000  }
0x75: {  	[tilespmem:s20], [sflag:$0x1] =	stream.linear.gather [spmem:s13], $0x4000, $0x38;
	[tilespmem:$0x18080] =	vst v63  }
0x76: {  	_ =	swait.ge [sflag:s21], $0x4000  }
0x77: {  	[sflag:s21] =	ssyncset.done $0x0  }
0x78: {  	[sflag:s21] =	ssyncadd.s32 $0xFFFFC000  }
0x79: {  	[hbm4b:s14+s3] =	stream.linear.scatter [tilespmem:s20], [sflag:$0x1], $0x4000, $0x38;
	[tilespmem:$0x18080] =	vst v63  }
0x7a: {  	_ =	swait.ge [sflag:s21], $0x4000  }
0x7b: {  	[sflag:s21] =	ssyncset.done $0x0  }
0x7c: {  	[sflag:s21] =	ssyncadd.s32 $0xFFFFC000  }
0x7d: {  	[tilespmem:s20], [sflag:$0x1] =	stream.linear.gather [spmem:s15], $0x4000, $0x38;
	[tilespmem:$0x18080] =	vst v63  }
0x7e: {  	_ =	swait.ge [sflag:s21], $0x4000  }
0x7f: {  	[sflag:s21] =	ssyncset.done $0x0  }
0x80: {  	[sflag:s21] =	ssyncadd.s32 $0xFFFFC000  }
0x81: {  	[hbm4b:s16+s3] =	stream.linear.scatter [tilespmem:s20], [sflag:$0x1], $0x4000, $0x38;
	[tilespmem:$0x18080] =	vst v63  }
0x82: {  	_ =	swait.ge [sflag:s21], $0x4000  }
0x83: {  	[sflag:s21] =	ssyncset.done $0x0  }
0x84: {  	[sflag:s21] =	ssyncadd.s32 $0xFFFFC000  }
0x85: {  	[tilespmem:s20], [sflag:$0x1] =	stream.linear.gather [spmem:s17], $0x4000, $0x38;
	[tilespmem:$0x18080] =	vst v63  }
0x86: {  	s22 =	sadd.s32 $0x1, s22;
	_ =	swait.ge [sflag:s21], $0x4000  }
0x87: {  	p0 =	sne.s32 s22, s5;
	[sflag:s21] =	ssyncset.done $0x0  }
.Ltmp3:
0x88: {  	[sflag:s21] =	ssyncadd.s32 $0xFFFFC000;
	(pc) =	sbr.rel @p0 .LBB2_1-.Ltmp3, $4  }
0x89: {  	[hbm4b:s18+s3] =	stream.linear.scatter [tilespmem:s20], [sflag:$0x1], $0x4000, $0x38;
	[tilespmem:$0x18080] =	vst v63  }
0x8a: {  	_ =	swait.ge [sflag:s21], $0x4000  }
0x8b: {  	[sflag:s21] =	ssyncset.done $0x0  }
0x8c: {  	[sflag:s21] =	ssyncadd.s32 $0xFFFFC000  }
0x8d: {  	_ =	sfence.sel $0x180000  }
0x8e: {  	[bflag:$0x0] =	sbarrier.arrive $0xFFFF  }
0x8f: {  	p0 =	sne.s32 s1, $0x0;
	_ =	strace $0x90000047  }
0x90: {  	s0 =	sadd.s32 @!p0 $0x100000, s0;
	[bflag:$0x2] =	sbarrier.arrive $0xFFFF  }
0x91: {  	[sflag:s0] =	ssyncadd.tile.s32 @!p0 $0x1;
	_ =	shalt  }
.Lfunc_end2:
_tile_overlayer_lowered:
.L_overlay_start_2:
0x92: {  	(tag) =	ssettag $0x2  }
0x93: {  	s0 =	rddreg [dreg:$0x0];
	s2 =	stileid.u32  }
0x94: {  	s1 =	rddreg [dreg:$0x1];
	p0 =	sne.s32 s2, $0x0  }
0x95: {  	s3 =	rddreg [dreg:$0x2];
	[bflag:$0x3] =	sbarrier.arrive $0xFFFF;
	s2 =	simm.s32 @!p0 $0x1C01  }
0x96: {  	[timem:s3], [sflag:s2] =	dma.local @!p0 [hbm:s0], s1  }
0x97: {  	s0 =	simm.s32 @!p0 $0x1  }
0x98: {  	_ =	swait.ge @!p0 [sflag:s0], s1  }
0x99: {  	s1 =	ssub.s32 @!p0 $0x0, s1;
	[sflag:s0] =	ssyncset.done @!p0 $0x0  }
0x9a: {  	[sflag:s0] =	ssyncadd.s32 @!p0 s1  }
0x9b: {  	[bflag:$0x3] =	sbarrier.arrive $0xFFFF  }
0x9c: {  	_ =	shalt  }

</sc_bundles>
